<compile_context>
chip_gen: v7x
topology: tpu7x:2x2x1
jax: 0.10.2.dev20260603
libtpu: 0.0.44.dev20260713+nightly
codegen_flags: <defaults>
</compile_context>

<pallas_src>
import functools

import jax
import jax.numpy as jnp
from jax import lax
from jax.experimental import pallas as pl
from jax.experimental.pallas import tpu as pltpu
from jax.experimental.pallas import tpu_sc as plsc

_B = 16384
_K = 1024
_D = 256
_R = 2048
_COMMITMENT_COST = 0.25

_NW = 32
_RPW = _B // _NW
_CH = 32
_NCHUNK = _RPW // _CH
_NSC = _RPW // 128


def _vq_tc_kernel(x_ref, sx_ref, se_ref, w_ref,
                  idx_ref, q_ref, cnt_ref, ds_ref):
    x = x_ref[...]
    w = w_ref[...]
    m = jax.lax.dot_general(x, w, (((1,), (1,)), ((), ())),
                            preferred_element_type=jnp.float32)
    d = (sx_ref[...] + se_ref[...]) - 2.0 * m
    dmin = jnp.min(d, axis=1, keepdims=True)
    cols = jax.lax.broadcasted_iota(jnp.int32, (d.shape[0], d.shape[1]), 1)
    idx = jnp.min(jnp.where(d == dmin, cols, _K), axis=1, keepdims=True)
    idx_ref[...] = idx
    onehot = (cols == idx).astype(jnp.float32)
    q = jax.lax.dot_general(onehot, w, (((1,), (0,)), ((), ())),
                            preferred_element_type=jnp.float32)
    q_ref[...] = x + (q - x)
    ones = jnp.ones((1, x.shape[0]), jnp.float32)
    cnt = jax.lax.dot_general(ones, onehot, (((1,), (0,)), ((), ())),
                              preferred_element_type=jnp.float32)
    cnt_ref[...] = cnt.reshape(1, 1, _K)
    ds_ref[...] = jnp.sum(dmin).reshape(1, 1, 1)


def _sc_enc_body(idx_hbm, enc_hbm,
                 idx_v, zbuf, ones_v, f0, f1, f2, f3,
                 semz, sems):
    wid = lax.axis_index("s") * 2 + lax.axis_index("c")
    base = wid * _RPW
    pltpu.sync_copy(idx_hbm.at[pl.ds(base, _RPW)], idx_v)

    def _zero(t, carry):
        zbuf[pl.ds(t * 16, 16)] = jnp.zeros((16,), jnp.float32)
        return carry

    lax.fori_loop(0, _CH * _K // 16, _zero, 0)
    for t in range(128 // 16):
        ones_v[pl.ds(t * 16, 16)] = jnp.ones((16,), jnp.float32)

    lanes = lax.iota(jnp.int32, 16)
    fbufs = (f0, f1, f2, f3)
    for g in range(_RPW // 16):
        colv = idx_v[pl.ds(g * 16, 16)]
        rows = (base + g * 16) + lanes
        fbufs[g // 8][pl.ds((g % 8) * 16, 16)] = rows * _K + colv

    zcopies = []
    for c in range(_NCHUNK):
        zcopies.append(pltpu.async_copy(
            zbuf, enc_hbm.at[pl.ds((base + c * _CH) * _K, _CH * _K)], semz))
    for zc in zcopies:
        zc.wait()
    scopies = []
    for j in range(_NSC):
        scopies.append(pltpu.async_copy(ones_v, enc_hbm.at[fbufs[j]], sems))
    for sc in scopies:
        sc.wait()


def kernel(inputs, classes, embeddings_weight):
    del classes
    input_shape = inputs.shape
    x = inputs.reshape(_B, _D)
    sx = jnp.sum(x ** 2, axis=1, keepdims=True)
    se = jnp.sum(embeddings_weight ** 2, axis=1)[None, :]
    grid = _B // _R
    idx, q, cnt, ds = pl.pallas_call(
        _vq_tc_kernel,
        grid=(grid,),
        in_specs=[
            pl.BlockSpec((_R, _D), lambda i: (i, 0)),
            pl.BlockSpec((_R, 1), lambda i: (i, 0)),
            pl.BlockSpec((1, _K), lambda i: (0, 0)),
            pl.BlockSpec((_K, _D), lambda i: (0, 0)),
        ],
        out_specs=[
            pl.BlockSpec((_R, 1), lambda i: (i, 0)),
            pl.BlockSpec((_R, _D), lambda i: (i, 0)),
            pl.BlockSpec((1, 1, _K), lambda i: (i, 0, 0)),
            pl.BlockSpec((1, 1, 1), lambda i: (i, 0, 0)),
        ],
        out_shape=[
            jax.ShapeDtypeStruct((_B, 1), jnp.int32),
            jax.ShapeDtypeStruct((_B, _D), jnp.float32),
            jax.ShapeDtypeStruct((grid, 1, _K), jnp.float32),
            jax.ShapeDtypeStruct((grid, 1, 1), jnp.float32),
        ],
        compiler_params=pltpu.CompilerParams(
            dimension_semantics=("parallel",)),
    )(x, sx, se, embeddings_weight)

    sc_enc = functools.partial(
        pl.kernel,
        mesh=plsc.VectorSubcoreMesh(core_axis_name="c", subcore_axis_name="s"),
        out_type=jax.ShapeDtypeStruct((_B * _K,), jnp.float32),
        scratch_types=[
            pltpu.VMEM((_RPW,), jnp.int32),
            pltpu.VMEM((_CH * _K,), jnp.float32),
            pltpu.VMEM((128,), jnp.float32),
            pltpu.VMEM((128,), jnp.int32),
            pltpu.VMEM((128,), jnp.int32),
            pltpu.VMEM((128,), jnp.int32),
            pltpu.VMEM((128,), jnp.int32),
            pltpu.SemaphoreType.DMA,
            pltpu.SemaphoreType.DMA,
        ],
    )(_sc_enc_body)
    enc_flat = sc_enc(idx.reshape(_B))

    loss = (1.0 + _COMMITMENT_COST) * jnp.sum(ds) / (_B * _D)
    p = jnp.sum(cnt.reshape(grid, _K), axis=0) / _B
    perp = jnp.exp(-jnp.sum(p * jnp.log(p + 1e-10)))
    return (loss, q.reshape(input_shape), perp, enc_flat.reshape(_B, _K))

# --- scband reference (transcript-rebuilt; emitter-appended) ---
"""Pipeline reference for scband-vector-quantizer-supervised-70729521431111 (READ-ONLY COPY).

The authoritative reference and input builder live on the scoring server;
editing this copy changes nothing except your own understanding.
"""

import jax, jax.numpy as jnp
import numpy as np

NUM_EMBEDDINGS = 1024
EMBEDDING_DIM = 256
COMMITMENT_COST = 0.25


def setup_inputs(seed: int = 0) -> dict:
    key = jax.random.key(seed)
    k1, k2, k3 = jax.random.split(key, 3)
    inputs = jax.random.normal(k1, (16384, 4, 4, 4, 4), dtype=jnp.float32)
    classes = jax.random.randint(k2, (16384,), 0, 10, dtype=jnp.int64)
    embeddings_weight = jax.random.normal(k3, (NUM_EMBEDDINGS, EMBEDDING_DIM), dtype=jnp.float32) * 0.02
    return {"inputs": inputs, "classes": classes, "embeddings_weight": embeddings_weight}


def reference(inputs, classes, embeddings_weight):
    # non-rotate branch of VectorQuantizer_Supervised.forward
    input_shape = inputs.shape
    B = input_shape[0]
    C = input_shape[1] * input_shape[2] * input_shape[3] * input_shape[4]
    assert C == EMBEDDING_DIM
    flat_input = inputs.reshape(B, -1)
    # pairwise squared L2 distances to codebook rows
    distances = (
        jnp.sum(flat_input ** 2, axis=1, keepdims=True)
        + jnp.sum(embeddings_weight ** 2, axis=1)
        - 2.0 * jnp.matmul(flat_input, embeddings_weight.T)
    )
    encoding_indices = jnp.argmin(distances, axis=1)
    # one-hot encodings via scatter-overwrite
    encodings = jnp.zeros((B, NUM_EMBEDDINGS), dtype=jnp.float32).at[jnp.arange(B), encoding_indices].set(1.0)
    quantized = jnp.matmul(encodings, embeddings_weight).reshape(input_shape)
    e_latent_loss = jnp.mean((jax.lax.stop_gradient(quantized) - inputs) ** 2)
    q_latent_loss = jnp.mean((quantized - jax.lax.stop_gradient(inputs)) ** 2)
    loss = q_latent_loss + COMMITMENT_COST * e_latent_loss
    # straight-through estimator
    quantized = inputs + jax.lax.stop_gradient(quantized - inputs)
    avg_probs = jnp.mean(encodings, axis=0)
    perplexity = jnp.exp(-jnp.sum(avg_probs * jnp.log(avg_probs + 1e-10)))
    return (loss, quantized, perplexity, encodings)

if __name__ == "__main__":
    import jax
    _d = setup_inputs()
    print(jax.jit(kernel)(*tuple(_d.values())))

</pallas_src>

<mosaic_0001>
#map = affine_map<(d0, d1) -> (0)>
module attributes {stable_mosaic.version = 14 : i64} {
  func.func @_sc_enc_body(%arg0: i32, %arg1: i32, %arg2: memref<16384xi32, #tpu.memory_space<hbm>>, %arg3: memref<16777216xf32, #tpu.memory_space<hbm>>, %arg4: memref<512xi32, #tpu.memory_space<vmem>>, %arg5: memref<32768xf32, #tpu.memory_space<vmem>>, %arg6: memref<128xf32, #tpu.memory_space<vmem>>, %arg7: memref<128xi32, #tpu.memory_space<vmem>>, %arg8: memref<128xi32, #tpu.memory_space<vmem>>, %arg9: memref<128xi32, #tpu.memory_space<vmem>>, %arg10: memref<128xi32, #tpu.memory_space<vmem>>, %arg11: memref<!tpu.dma_semaphore, #tpu.memory_space<semaphore_mem>>, %arg12: memref<!tpu.dma_semaphore, #tpu.memory_space<semaphore_mem>>) attributes {dimension_semantics = [#tpu.dimension_semantics<core_parallel>, #tpu.dimension_semantics<subcore_parallel>], iteration_bounds = array<i64: 2, 16>, scalar_prefetch = 0 : i64, scratch_operands = 9 : i64, tpu.core_type = #tpu.core_type<sc_vector_subcore>, window_params = [{transform_indices = #map}, {transform_indices = #map}]} {
    %mul3A = arith.constant 2 : i32
    %mul3A_0 = arith.muli %arg1, %mul3A : i32
    %add3A = arith.addi %mul3A_0, %arg0 : i32
    %mul3A_1 = arith.constant 512 : i32
    %mul3A_2 = arith.muli %add3A, %mul3A_1 : i32
    "tpu.region"() ({
      %run_scoped3A = tpu.sem_alloc : memref<!tpu.dma_semaphore, #tpu.memory_space<semaphore_mem>>
      %dma_start3A_675 = tpu.memref_slice %arg2[%mul3A_2] : memref<16384xi32, #tpu.memory_space<hbm>> -> memref<512xi32, #tpu.memory_space<hbm>>
      %dma_start3A_676 = tpu.memref_slice %arg2[%mul3A_2] : memref<16384xi32, #tpu.memory_space<hbm>> -> memref<512xi32, #tpu.memory_space<hbm>>
      tpu.enqueue_dma source(%dma_start3A_676 : memref<512xi32, #tpu.memory_space<hbm>>) target(%arg4 : memref<512xi32, #tpu.memory_space<vmem>>) target_semaphore(%run_scoped3A : memref<!tpu.dma_semaphore, #tpu.memory_space<semaphore_mem>>)
      %dma_wait3A_677 = tpu.memref_slice %arg2[%mul3A_2] : memref<16384xi32, #tpu.memory_space<hbm>> -> memref<512xi32, #tpu.memory_space<hbm>>
      %dma_wait3A_678 = tpu.memref_slice %arg2[%mul3A_2] : memref<16384xi32, #tpu.memory_space<hbm>> -> memref<512xi32, #tpu.memory_space<hbm>>
      tpu.wait_dma2 semaphore(%run_scoped3A : memref<!tpu.dma_semaphore, #tpu.memory_space<semaphore_mem>>) src(%dma_wait3A_678 : memref<512xi32, #tpu.memory_space<hbm>>) dst(%arg4 : memref<512xi32, #tpu.memory_space<vmem>>)
      tpu.yield
    }) : () -> ()
    %scan3A = arith.constant 0 : i32
    %scan3A_3 = arith.constant 0 : i32
    %scan3A_4 = arith.constant 2048 : i32
    %scan3A_5 = arith.addi %scan3A_3, %scan3A_4 : i32
    %scan3A_6 = arith.constant 1 : i32
    scf.for %scan3A_675 = %scan3A_3 to %scan3A_5 step %scan3A_6  : i32 {
      %broadcast_in_dim3A_676 = arith.constant 0.000000e+00 : f32
      %broadcast_in_dim3A_677 = vector.broadcast %broadcast_in_dim3A_676 : f32 to vector<16xf32>
      %mul3A_678 = arith.constant 16 : i32
      %mul3A_679 = arith.muli %scan3A_675, %mul3A_678 : i32
      %swap3A_680 = arith.index_cast %mul3A_679 : i32 to index
      %swap3A_681 = tpu.vector_load %arg5[%swap3A_680] {strides = array<i32>} : memref<32768xf32, #tpu.memory_space<vmem>>, vector<16xf32>,
      %swap3A_682 = vector.shape_cast %swap3A_681 : vector<16xf32> to vector<16xf32>
      %swap3A_683 = vector.shape_cast %broadcast_in_dim3A_677 : vector<16xf32> to vector<16xf32>
      tpu.vector_store %arg5[%swap3A_680], %swap3A_683 {strides = array<i32>} : memref<32768xf32, #tpu.memory_space<vmem>>, vector<16xf32>,
    }
    %scan3A_7 = arith.constant 2048 : i32
    %broadcast_in_dim3A = arith.constant 1.000000e+00 : f32
    %broadcast_in_dim3A_8 = vector.broadcast %broadcast_in_dim3A : f32 to vector<16xf32>
    %swap3A = arith.constant 0 : index
    %swap3A_9 = tpu.vector_load %arg6[%swap3A] {strides = array<i32>} : memref<128xf32, #tpu.memory_space<vmem>>, vector<16xf32>,
    %swap3A_10 = vector.shape_cast %swap3A_9 : vector<16xf32> to vector<16xf32>
    %swap3A_11 = vector.shape_cast %broadcast_in_dim3A_8 : vector<16xf32> to vector<16xf32>
    tpu.vector_store %arg6[%swap3A], %swap3A_11 {strides = array<i32>} : memref<128xf32, #tpu.memory_space<vmem>>, vector<16xf32>,
    %broadcast_in_dim3A_12 = arith.constant 1.000000e+00 : f32
    %broadcast_in_dim3A_13 = vector.broadcast %broadcast_in_dim3A_12 : f32 to vector<16xf32>
    %swap3A_14 = arith.constant 16 : index
    %swap3A_15 = tpu.vector_load %arg6[%swap3A_14] {strides = array<i32>} : memref<128xf32, #tpu.memory_space<vmem>>, vector<16xf32>,
    %swap3A_16 = vector.shape_cast %swap3A_15 : vector<16xf32> to vector<16xf32>
    %swap3A_17 = vector.shape_cast %broadcast_in_dim3A_13 : vector<16xf32> to vector<16xf32>
    tpu.vector_store %arg6[%swap3A_14], %swap3A_17 {strides = array<i32>} : memref<128xf32, #tpu.memory_space<vmem>>, vector<16xf32>,
    %broadcast_in_dim3A_18 = arith.constant 1.000000e+00 : f32
    %broadcast_in_dim3A_19 = vector.broadcast %broadcast_in_dim3A_18 : f32 to vector<16xf32>
    %swap3A_20 = arith.constant 32 : index
    %swap3A_21 = tpu.vector_load %arg6[%swap3A_20] {strides = array<i32>} : memref<128xf32, #tpu.memory_space<vmem>>, vector<16xf32>,
    %swap3A_22 = vector.shape_cast %swap3A_21 : vector<16xf32> to vector<16xf32>
    %swap3A_23 = vector.shape_cast %broadcast_in_dim3A_19 : vector<16xf32> to vector<16xf32>
    tpu.vector_store %arg6[%swap3A_20], %swap3A_23 {strides = array<i32>} : memref<128xf32, #tpu.memory_space<vmem>>, vector<16xf32>,
    %broadcast_in_dim3A_24 = arith.constant 1.000000e+00 : f32
    %broadcast_in_dim3A_25 = vector.broadcast %broadcast_in_dim3A_24 : f32 to vector<16xf32>
    %swap3A_26 = arith.constant 48 : index
    %swap3A_27 = tpu.vector_load %arg6[%swap3A_26] {strides = array<i32>} : memref<128xf32, #tpu.memory_space<vmem>>, vector<16xf32>,
    %swap3A_28 = vector.shape_cast %swap3A_27 : vector<16xf32> to vector<16xf32>
    %swap3A_29 = vector.shape_cast %broadcast_in_dim3A_25 : vector<16xf32> to vector<16xf32>
    tpu.vector_store %arg6[%swap3A_26], %swap3A_29 {strides = array<i32>} : memref<128xf32, #tpu.memory_space<vmem>>, vector<16xf32>,
    %broadcast_in_dim3A_30 = arith.constant 1.000000e+00 : f32
    %broadcast_in_dim3A_31 = vector.broadcast %broadcast_in_dim3A_30 : f32 to vector<16xf32>
    %swap3A_32 = arith.constant 64 : index
    %swap3A_33 = tpu.vector_load %arg6[%swap3A_32] {strides = array<i32>} : memref<128xf32, #tpu.memory_space<vmem>>, vector<16xf32>,
    %swap3A_34 = vector.shape_cast %swap3A_33 : vector<16xf32> to vector<16xf32>
    %swap3A_35 = vector.shape_cast %broadcast_in_dim3A_31 : vector<16xf32> to vector<16xf32>
    tpu.vector_store %arg6[%swap3A_32], %swap3A_35 {strides = array<i32>} : memref<128xf32, #tpu.memory_space<vmem>>, vector<16xf32>,
    %broadcast_in_dim3A_36 = arith.constant 1.000000e+00 : f32
    %broadcast_in_dim3A_37 = vector.broadcast %broadcast_in_dim3A_36 : f32 to vector<16xf32>
    %swap3A_38 = arith.constant 80 : index
    %swap3A_39 = tpu.vector_load %arg6[%swap3A_38] {strides = array<i32>} : memref<128xf32, #tpu.memory_space<vmem>>, vector<16xf32>,
    %swap3A_40 = vector.shape_cast %swap3A_39 : vector<16xf32> to vector<16xf32>
    %swap3A_41 = vector.shape_cast %broadcast_in_dim3A_37 : vector<16xf32> to vector<16xf32>
    tpu.vector_store %arg6[%swap3A_38], %swap3A_41 {strides = array<i32>} : memref<128xf32, #tpu.memory_space<vmem>>, vector<16xf32>,
    %broadcast_in_dim3A_42 = arith.constant 1.000000e+00 : f32
    %broadcast_in_dim3A_43 = vector.broadcast %broadcast_in_dim3A_42 : f32 to vector<16xf32>
    %swap3A_44 = arith.constant 96 : index
    %swap3A_45 = tpu.vector_load %arg6[%swap3A_44] {strides = array<i32>} : memref<128xf32, #tpu.memory_space<vmem>>, vector<16xf32>,
    %swap3A_46 = vector.shape_cast %swap3A_45 : vector<16xf32> to vector<16xf32>
    %swap3A_47 = vector.shape_cast %broadcast_in_dim3A_43 : vector<16xf32> to vector<16xf32>
    tpu.vector_store %arg6[%swap3A_44], %swap3A_47 {strides = array<i32>} : memref<128xf32, #tpu.memory_space<vmem>>, vector<16xf32>,
    %broadcast_in_dim3A_48 = arith.constant 1.000000e+00 : f32
    %broadcast_in_dim3A_49 = vector.broadcast %broadcast_in_dim3A_48 : f32 to vector<16xf32>
    %swap3A_50 = arith.constant 112 : index
    %swap3A_51 = tpu.vector_load %arg6[%swap3A_50] {strides = array<i32>} : memref<128xf32, #tpu.memory_space<vmem>>, vector<16xf32>,
    %swap3A_52 = vector.shape_cast %swap3A_51 : vector<16xf32> to vector<16xf32>
    %swap3A_53 = vector.shape_cast %broadcast_in_dim3A_49 : vector<16xf32> to vector<16xf32>
    tpu.vector_store %arg6[%swap3A_50], %swap3A_53 {strides = array<i32>} : memref<128xf32, #tpu.memory_space<vmem>>, vector<16xf32>,
    %iota3A = tpu.iota {dimensions = array<i32: 0>} : vector<16xi32>
    %get3A = arith.constant 0 : index
    %get3A_54 = tpu.vector_load %arg4[%get3A] {strides = array<i32>} : memref<512xi32, #tpu.memory_space<vmem>>, vector<16xi32>,
    %get3A_55 = vector.shape_cast %get3A_54 : vector<16xi32> to vector<16xi32>
    %add3A_56 = arith.constant 0 : i32
    %add3A_57 = arith.addi %mul3A_2, %add3A_56 : i32
    %add3A_58 = vector.broadcast %add3A_57 : i32 to vector<16xi32>
    %add3A_59 = arith.addi %add3A_58, %iota3A : vector<16xi32>
    %mul3A_60 = arith.constant 1024 : i32
    %mul3A_61 = vector.broadcast %mul3A_60 : i32 to vector<16xi32>
    %mul3A_62 = arith.muli %add3A_59, %mul3A_61 : vector<16xi32>
    %add3A_63 = arith.addi %mul3A_62, %get3A_55 : vector<16xi32>
    %swap3A_64 = arith.constant 0 : index
    %swap3A_65 = tpu.vector_load %arg7[%swap3A_64] {strides = array<i32>} : memref<128xi32, #tpu.memory_space<vmem>>, vector<16xi32>,
    %swap3A_66 = vector.shape_cast %swap3A_65 : vector<16xi32> to vector<16xi32>
    %swap3A_67 = vector.shape_cast %add3A_63 : vector<16xi32> to vector<16xi32>
    tpu.vector_store %arg7[%swap3A_64], %swap3A_67 {strides = array<i32>} : memref<128xi32, #tpu.memory_space<vmem>>, vector<16xi32>,
    %get3A_68 = arith.constant 16 : index
    %get3A_69 = tpu.vector_load %arg4[%get3A_68] {strides = array<i32>} : memref<512xi32, #tpu.memory_space<vmem>>, vector<16xi32>,
    %get3A_70 = vector.shape_cast %get3A_69 : vector<16xi32> to vector<16xi32>
    %add3A_71 = arith.constant 16 : i32
    %add3A_72 = arith.addi %mul3A_2, %add3A_71 : i32
    %add3A_73 = vector.broadcast %add3A_72 : i32 to vector<16xi32>
    %add3A_74 = arith.addi %add3A_73, %iota3A : vector<16xi32>
    %mul3A_75 = arith.constant 1024 : i32
    %mul3A_76 = vector.broadcast %mul3A_75 : i32 to vector<16xi32>
    %mul3A_77 = arith.muli %add3A_74, %mul3A_76 : vector<16xi32>
    %add3A_78 = arith.addi %mul3A_77, %get3A_70 : vector<16xi32>
    %swap3A_79 = arith.constant 16 : index
    %swap3A_80 = tpu.vector_load %arg7[%swap3A_79] {strides = array<i32>} : memref<128xi32, #tpu.memory_space<vmem>>, vector<16xi32>,
    %swap3A_81 = vector.shape_cast %swap3A_80 : vector<16xi32> to vector<16xi32>
    %swap3A_82 = vector.shape_cast %add3A_78 : vector<16xi32> to vector<16xi32>
    tpu.vector_store %arg7[%swap3A_79], %swap3A_82 {strides = array<i32>} : memref<128xi32, #tpu.memory_space<vmem>>, vector<16xi32>,
    %get3A_83 = arith.constant 32 : index
    %get3A_84 = tpu.vector_load %arg4[%get3A_83] {strides = array<i32>} : memref<512xi32, #tpu.memory_space<vmem>>, vector<16xi32>,
    %get3A_85 = vector.shape_cast %get3A_84 : vector<16xi32> to vector<16xi32>
    %add3A_86 = arith.constant 32 : i32
    %add3A_87 = arith.addi %mul3A_2, %add3A_86 : i32
    %add3A_88 = vector.broadcast %add3A_87 : i32 to vector<16xi32>
    %add3A_89 = arith.addi %add3A_88, %iota3A : vector<16xi32>
    %mul3A_90 = arith.constant 1024 : i32
    %mul3A_91 = vector.broadcast %mul3A_90 : i32 to vector<16xi32>
    %mul3A_92 = arith.muli %add3A_89, %mul3A_91 : vector<16xi32>
    %add3A_93 = arith.addi %mul3A_92, %get3A_85 : vector<16xi32>
    %swap3A_94 = arith.constant 32 : index
    %swap3A_95 = tpu.vector_load %arg7[%swap3A_94] {strides = array<i32>} : memref<128xi32, #tpu.memory_space<vmem>>, vector<16xi32>,
    %swap3A_96 = vector.shape_cast %swap3A_95 : vector<16xi32> to vector<16xi32>
    %swap3A_97 = vector.shape_cast %add3A_93 : vector<16xi32> to vector<16xi32>
    tpu.vector_store %arg7[%swap3A_94], %swap3A_97 {strides = array<i32>} : memref<128xi32, #tpu.memory_space<vmem>>, vector<16xi32>,
    %get3A_98 = arith.constant 48 : index
    %get3A_99 = tpu.vector_load %arg4[%get3A_98] {strides = array<i32>} : memref<512xi32, #tpu.memory_space<vmem>>, vector<16xi32>,
    %get3A_100 = vector.shape_cast %get3A_99 : vector<16xi32> to vector<16xi32>
    %add3A_101 = arith.constant 48 : i32
    %add3A_102 = arith.addi %mul3A_2, %add3A_101 : i32
    %add3A_103 = vector.broadcast %add3A_102 : i32 to vector<16xi32>
    %add3A_104 = arith.addi %add3A_103, %iota3A : vector<16xi32>
    %mul3A_105 = arith.constant 1024 : i32
    %mul3A_106 = vector.broadcast %mul3A_105 : i32 to vector<16xi32>
    %mul3A_107 = arith.muli %add3A_104, %mul3A_106 : vector<16xi32>
    %add3A_108 = arith.addi %mul3A_107, %get3A_100 : vector<16xi32>
    %swap3A_109 = arith.constant 48 : index
    %swap3A_110 = tpu.vector_load %arg7[%swap3A_109] {strides = array<i32>} : memref<128xi32, #tpu.memory_space<vmem>>, vector<16xi32>,
    %swap3A_111 = vector.shape_cast %swap3A_110 : vector<16xi32> to vector<16xi32>
    %swap3A_112 = vector.shape_cast %add3A_108 : vector<16xi32> to vector<16xi32>
    tpu.vector_store %arg7[%swap3A_109], %swap3A_112 {strides = array<i32>} : memref<128xi32, #tpu.memory_space<vmem>>, vector<16xi32>,
    %get3A_113 = arith.constant 64 : index
    %get3A_114 = tpu.vector_load %arg4[%get3A_113] {strides = array<i32>} : memref<512xi32, #tpu.memory_space<vmem>>, vector<16xi32>,
    %get3A_115 = vector.shape_cast %get3A_114 : vector<16xi32> to vector<16xi32>
    %add3A_116 = arith.constant 64 : i32
    %add3A_117 = arith.addi %mul3A_2, %add3A_116 : i32
    %add3A_118 = vector.broadcast %add3A_117 : i32 to vector<16xi32>
    %add3A_119 = arith.addi %add3A_118, %iota3A : vector<16xi32>
    %mul3A_120 = arith.constant 1024 : i32
    %mul3A_121 = vector.broadcast %mul3A_120 : i32 to vector<16xi32>
    %mul3A_122 = arith.muli %add3A_119, %mul3A_121 : vector<16xi32>
    %add3A_123 = arith.addi %mul3A_122, %get3A_115 : vector<16xi32>
    %swap3A_124 = arith.constant 64 : index
    %swap3A_125 = tpu.vector_load %arg7[%swap3A_124] {strides = array<i32>} : memref<128xi32, #tpu.memory_space<vmem>>, vector<16xi32>,
    %swap3A_126 = vector.shape_cast %swap3A_125 : vector<16xi32> to vector<16xi32>
    %swap3A_127 = vector.shape_cast %add3A_123 : vector<16xi32> to vector<16xi32>
    tpu.vector_store %arg7[%swap3A_124], %swap3A_127 {strides = array<i32>} : memref<128xi32, #tpu.memory_space<vmem>>, vector<16xi32>,
    %get3A_128 = arith.constant 80 : index
    %get3A_129 = tpu.vector_load %arg4[%get3A_128] {strides = array<i32>} : memref<512xi32, #tpu.memory_space<vmem>>, vector<16xi32>,
    %get3A_130 = vector.shape_cast %get3A_129 : vector<16xi32> to vector<16xi32>
    %add3A_131 = arith.constant 80 : i32
    %add3A_132 = arith.addi %mul3A_2, %add3A_131 : i32
    %add3A_133 = vector.broadcast %add3A_132 : i32 to vector<16xi32>
    %add3A_134 = arith.addi %add3A_133, %iota3A : vector<16xi32>
    %mul3A_135 = arith.constant 1024 : i32
    %mul3A_136 = vector.broadcast %mul3A_135 : i32 to vector<16xi32>
    %mul3A_137 = arith.muli %add3A_134, %mul3A_136 : vector<16xi32>
    %add3A_138 = arith.addi %mul3A_137, %get3A_130 : vector<16xi32>
    %swap3A_139 = arith.constant 80 : index
    %swap3A_140 = tpu.vector_load %arg7[%swap3A_139] {strides = array<i32>} : memref<128xi32, #tpu.memory_space<vmem>>, vector<16xi32>,
    %swap3A_141 = vector.shape_cast %swap3A_140 : vector<16xi32> to vector<16xi32>
    %swap3A_142 = vector.shape_cast %add3A_138 : vector<16xi32> to vector<16xi32>
    tpu.vector_store %arg7[%swap3A_139], %swap3A_142 {strides = array<i32>} : memref<128xi32, #tpu.memory_space<vmem>>, vector<16xi32>,
    %get3A_143 = arith.constant 96 : index
    %get3A_144 = tpu.vector_load %arg4[%get3A_143] {strides = array<i32>} : memref<512xi32, #tpu.memory_space<vmem>>, vector<16xi32>,
    %get3A_145 = vector.shape_cast %get3A_144 : vector<16xi32> to vector<16xi32>
    %add3A_146 = arith.constant 96 : i32
    %add3A_147 = arith.addi %mul3A_2, %add3A_146 : i32
    %add3A_148 = vector.broadcast %add3A_147 : i32 to vector<16xi32>
    %add3A_149 = arith.addi %add3A_148, %iota3A : vector<16xi32>
    %mul3A_150 = arith.constant 1024 : i32
    %mul3A_151 = vector.broadcast %mul3A_150 : i32 to vector<16xi32>
    %mul3A_152 = arith.muli %add3A_149, %mul3A_151 : vector<16xi32>
    %add3A_153 = arith.addi %mul3A_152, %get3A_145 : vector<16xi32>
    %swap3A_154 = arith.constant 96 : index
    %swap3A_155 = tpu.vector_load %arg7[%swap3A_154] {strides = array<i32>} : memref<128xi32, #tpu.memory_space<vmem>>, vector<16xi32>,
    %swap3A_156 = vector.shape_cast %swap3A_155 : vector<16xi32> to vector<16xi32>
    %swap3A_157 = vector.shape_cast %add3A_153 : vector<16xi32> to vector<16xi32>
    tpu.vector_store %arg7[%swap3A_154], %swap3A_157 {strides = array<i32>} : memref<128xi32, #tpu.memory_space<vmem>>, vector<16xi32>,
    %get3A_158 = arith.constant 112 : index
    %get3A_159 = tpu.vector_load %arg4[%get3A_158] {strides = array<i32>} : memref<512xi32, #tpu.memory_space<vmem>>, vector<16xi32>,
    %get3A_160 = vector.shape_cast %get3A_159 : vector<16xi32> to vector<16xi32>
    %add3A_161 = arith.constant 112 : i32
    %add3A_162 = arith.addi %mul3A_2, %add3A_161 : i32
    %add3A_163 = vector.broadcast %add3A_162 : i32 to vector<16xi32>
    %add3A_164 = arith.addi %add3A_163, %iota3A : vector<16xi32>
    %mul3A_165 = arith.constant 1024 : i32
    %mul3A_166 = vector.broadcast %mul3A_165 : i32 to vector<16xi32>
    %mul3A_167 = arith.muli %add3A_164, %mul3A_166 : vector<16xi32>
    %add3A_168 = arith.addi %mul3A_167, %get3A_160 : vector<16xi32>
    %swap3A_169 = arith.constant 112 : index
    %swap3A_170 = tpu.vector_load %arg7[%swap3A_169] {strides = array<i32>} : memref<128xi32, #tpu.memory_space<vmem>>, vector<16xi32>,
    %swap3A_171 = vector.shape_cast %swap3A_170 : vector<16xi32> to vector<16xi32>
    %swap3A_172 = vector.shape_cast %add3A_168 : vector<16xi32> to vector<16xi32>
    tpu.vector_store %arg7[%swap3A_169], %swap3A_172 {strides = array<i32>} : memref<128xi32, #tpu.memory_space<vmem>>, vector<16xi32>,
    %get3A_173 = arith.constant 128 : index
    %get3A_174 = tpu.vector_load %arg4[%get3A_173] {strides = array<i32>} : memref<512xi32, #tpu.memory_space<vmem>>, vector<16xi32>,
    %get3A_175 = vector.shape_cast %get3A_174 : vector<16xi32> to vector<16xi32>
    %add3A_176 = arith.constant 128 : i32
    %add3A_177 = arith.addi %mul3A_2, %add3A_176 : i32
    %add3A_178 = vector.broadcast %add3A_177 : i32 to vector<16xi32>
    %add3A_179 = arith.addi %add3A_178, %iota3A : vector<16xi32>
    %mul3A_180 = arith.constant 1024 : i32
    %mul3A_181 = vector.broadcast %mul3A_180 : i32 to vector<16xi32>
    %mul3A_182 = arith.muli %add3A_179, %mul3A_181 : vector<16xi32>
    %add3A_183 = arith.addi %mul3A_182, %get3A_175 : vector<16xi32>
    %swap3A_184 = arith.constant 0 : index
    %swap3A_185 = tpu.vector_load %arg8[%swap3A_184] {strides = array<i32>} : memref<128xi32, #tpu.memory_space<vmem>>, vector<16xi32>,
    %swap3A_186 = vector.shape_cast %swap3A_185 : vector<16xi32> to vector<16xi32>
    %swap3A_187 = vector.shape_cast %add3A_183 : vector<16xi32> to vector<16xi32>
    tpu.vector_store %arg8[%swap3A_184], %swap3A_187 {strides = array<i32>} : memref<128xi32, #tpu.memory_space<vmem>>, vector<16xi32>,
    %get3A_188 = arith.constant 144 : index
    %get3A_189 = tpu.vector_load %arg4[%get3A_188] {strides = array<i32>} : memref<512xi32, #tpu.memory_space<vmem>>, vector<16xi32>,
    %get3A_190 = vector.shape_cast %get3A_189 : vector<16xi32> to vector<16xi32>
    %add3A_191 = arith.constant 144 : i32
    %add3A_192 = arith.addi %mul3A_2, %add3A_191 : i32
    %add3A_193 = vector.broadcast %add3A_192 : i32 to vector<16xi32>
    %add3A_194 = arith.addi %add3A_193, %iota3A : vector<16xi32>
    %mul3A_195 = arith.constant 1024 : i32
    %mul3A_196 = vector.broadcast %mul3A_195 : i32 to vector<16xi32>
    %mul3A_197 = arith.muli %add3A_194, %mul3A_196 : vector<16xi32>
    %add3A_198 = arith.addi %mul3A_197, %get3A_190 : vector<16xi32>
    %swap3A_199 = arith.constant 16 : index
    %swap3A_200 = tpu.vector_load %arg8[%swap3A_199] {strides = array<i32>} : memref<128xi32, #tpu.memory_space<vmem>>, vector<16xi32>,
    %swap3A_201 = vector.shape_cast %swap3A_200 : vector<16xi32> to vector<16xi32>
    %swap3A_202 = vector.shape_cast %add3A_198 : vector<16xi32> to vector<16xi32>
    tpu.vector_store %arg8[%swap3A_199], %swap3A_202 {strides = array<i32>} : memref<128xi32, #tpu.memory_space<vmem>>, vector<16xi32>,
    %get3A_203 = arith.constant 160 : index
    %get3A_204 = tpu.vector_load %arg4[%get3A_203] {strides = array<i32>} : memref<512xi32, #tpu.memory_space<vmem>>, vector<16xi32>,
    %get3A_205 = vector.shape_cast %get3A_204 : vector<16xi32> to vector<16xi32>
    %add3A_206 = arith.constant 160 : i32
    %add3A_207 = arith.addi %mul3A_2, %add3A_206 : i32
    %add3A_208 = vector.broadcast %add3A_207 : i32 to vector<16xi32>
    %add3A_209 = arith.addi %add3A_208, %iota3A : vector<16xi32>
    %mul3A_210 = arith.constant 1024 : i32
    %mul3A_211 = vector.broadcast %mul3A_210 : i32 to vector<16xi32>
    %mul3A_212 = arith.muli %add3A_209, %mul3A_211 : vector<16xi32>
    %add3A_213 = arith.addi %mul3A_212, %get3A_205 : vector<16xi32>
    %swap3A_214 = arith.constant 32 : index
    %swap3A_215 = tpu.vector_load %arg8[%swap3A_214] {strides = array<i32>} : memref<128xi32, #tpu.memory_space<vmem>>, vector<16xi32>,
    %swap3A_216 = vector.shape_cast %swap3A_215 : vector<16xi32> to vector<16xi32>
    %swap3A_217 = vector.shape_cast %add3A_213 : vector<16xi32> to vector<16xi32>
    tpu.vector_store %arg8[%swap3A_214], %swap3A_217 {strides = array<i32>} : memref<128xi32, #tpu.memory_space<vmem>>, vector<16xi32>,
    %get3A_218 = arith.constant 176 : index
    %get3A_219 = tpu.vector_load %arg4[%get3A_218] {strides = array<i32>} : memref<512xi32, #tpu.memory_space<vmem>>, vector<16xi32>,
    %get3A_220 = vector.shape_cast %get3A_219 : vector<16xi32> to vector<16xi32>
    %add3A_221 = arith.constant 176 : i32
    %add3A_222 = arith.addi %mul3A_2, %add3A_221 : i32
    %add3A_223 = vector.broadcast %add3A_222 : i32 to vector<16xi32>
    %add3A_224 = arith.addi %add3A_223, %iota3A : vector<16xi32>
    %mul3A_225 = arith.constant 1024 : i32
    %mul3A_226 = vector.broadcast %mul3A_225 : i32 to vector<16xi32>
    %mul3A_227 = arith.muli %add3A_224, %mul3A_226 : vector<16xi32>
    %add3A_228 = arith.addi %mul3A_227, %get3A_220 : vector<16xi32>
    %swap3A_229 = arith.constant 48 : index
    %swap3A_230 = tpu.vector_load %arg8[%swap3A_229] {strides = array<i32>} : memref<128xi32, #tpu.memory_space<vmem>>, vector<16xi32>,
    %swap3A_231 = vector.shape_cast %swap3A_230 : vector<16xi32> to vector<16xi32>
    %swap3A_232 = vector.shape_cast %add3A_228 : vector<16xi32> to vector<16xi32>
    tpu.vector_store %arg8[%swap3A_229], %swap3A_232 {strides = array<i32>} : memref<128xi32, #tpu.memory_space<vmem>>, vector<16xi32>,
    %get3A_233 = arith.constant 192 : index
    %get3A_234 = tpu.vector_load %arg4[%get3A_233] {strides = array<i32>} : memref<512xi32, #tpu.memory_space<vmem>>, vector<16xi32>,
    %get3A_235 = vector.shape_cast %get3A_234 : vector<16xi32> to vector<16xi32>
    %add3A_236 = arith.constant 192 : i32
    %add3A_237 = arith.addi %mul3A_2, %add3A_236 : i32
    %add3A_238 = vector.broadcast %add3A_237 : i32 to vector<16xi32>
    %add3A_239 = arith.addi %add3A_238, %iota3A : vector<16xi32>
    %mul3A_240 = arith.constant 1024 : i32
    %mul3A_241 = vector.broadcast %mul3A_240 : i32 to vector<16xi32>
    %mul3A_242 = arith.muli %add3A_239, %mul3A_241 : vector<16xi32>
    %add3A_243 = arith.addi %mul3A_242, %get3A_235 : vector<16xi32>
    %swap3A_244 = arith.constant 64 : index
    %swap3A_245 = tpu.vector_load %arg8[%swap3A_244] {strides = array<i32>} : memref<128xi32, #tpu.memory_space<vmem>>, vector<16xi32>,
    %swap3A_246 = vector.shape_cast %swap3A_245 : vector<16xi32> to vector<16xi32>
    %swap3A_247 = vector.shape_cast %add3A_243 : vector<16xi32> to vector<16xi32>
    tpu.vector_store %arg8[%swap3A_244], %swap3A_247 {strides = array<i32>} : memref<128xi32, #tpu.memory_space<vmem>>, vector<16xi32>,
    %get3A_248 = arith.constant 208 : index
    %get3A_249 = tpu.vector_load %arg4[%get3A_248] {strides = array<i32>} : memref<512xi32, #tpu.memory_space<vmem>>, vector<16xi32>,
    %get3A_250 = vector.shape_cast %get3A_249 : vector<16xi32> to vector<16xi32>
    %add3A_251 = arith.constant 208 : i32
    %add3A_252 = arith.addi %mul3A_2, %add3A_251 : i32
    %add3A_253 = vector.broadcast %add3A_252 : i32 to vector<16xi32>
    %add3A_254 = arith.addi %add3A_253, %iota3A : vector<16xi32>
    %mul3A_255 = arith.constant 1024 : i32
    %mul3A_256 = vector.broadcast %mul3A_255 : i32 to vector<16xi32>
    %mul3A_257 = arith.muli %add3A_254, %mul3A_256 : vector<16xi32>
    %add3A_258 = arith.addi %mul3A_257, %get3A_250 : vector<16xi32>
    %swap3A_259 = arith.constant 80 : index
    %swap3A_260 = tpu.vector_load %arg8[%swap3A_259] {strides = array<i32>} : memref<128xi32, #tpu.memory_space<vmem>>, vector<16xi32>,
    %swap3A_261 = vector.shape_cast %swap3A_260 : vector<16xi32> to vector<16xi32>
    %swap3A_262 = vector.shape_cast %add3A_258 : vector<16xi32> to vector<16xi32>
    tpu.vector_store %arg8[%swap3A_259], %swap3A_262 {strides = array<i32>} : memref<128xi32, #tpu.memory_space<vmem>>, vector<16xi32>,
    %get3A_263 = arith.constant 224 : index
    %get3A_264 = tpu.vector_load %arg4[%get3A_263] {strides = array<i32>} : memref<512xi32, #tpu.memory_space<vmem>>, vector<16xi32>,
    %get3A_265 = vector.shape_cast %get3A_264 : vector<16xi32> to vector<16xi32>
    %add3A_266 = arith.constant 224 : i32
    %add3A_267 = arith.addi %mul3A_2, %add3A_266 : i32
    %add3A_268 = vector.broadcast %add3A_267 : i32 to vector<16xi32>
    %add3A_269 = arith.addi %add3A_268, %iota3A : vector<16xi32>
    %mul3A_270 = arith.constant 1024 : i32
    %mul3A_271 = vector.broadcast %mul3A_270 : i32 to vector<16xi32>
    %mul3A_272 = arith.muli %add3A_269, %mul3A_271 : vector<16xi32>
    %add3A_273 = arith.addi %mul3A_272, %get3A_265 : vector<16xi32>
    %swap3A_274 = arith.constant 96 : index
    %swap3A_275 = tpu.vector_load %arg8[%swap3A_274] {strides = array<i32>} : memref<128xi32, #tpu.memory_space<vmem>>, vector<16xi32>,
    %swap3A_276 = vector.shape_cast %swap3A_275 : vector<16xi32> to vector<16xi32>
    %swap3A_277 = vector.shape_cast %add3A_273 : vector<16xi32> to vector<16xi32>
    tpu.vector_store %arg8[%swap3A_274], %swap3A_277 {strides = array<i32>} : memref<128xi32, #tpu.memory_space<vmem>>, vector<16xi32>,
    %get3A_278 = arith.constant 240 : index
    %get3A_279 = tpu.vector_load %arg4[%get3A_278] {strides = array<i32>} : memref<512xi32, #tpu.memory_space<vmem>>, vector<16xi32>,
    %get3A_280 = vector.shape_cast %get3A_279 : vector<16xi32> to vector<16xi32>
    %add3A_281 = arith.constant 240 : i32
    %add3A_282 = arith.addi %mul3A_2, %add3A_281 : i32
    %add3A_283 = vector.broadcast %add3A_282 : i32 to vector<16xi32>
    %add3A_284 = arith.addi %add3A_283, %iota3A : vector<16xi32>
    %mul3A_285 = arith.constant 1024 : i32
    %mul3A_286 = vector.broadcast %mul3A_285 : i32 to vector<16xi32>
    %mul3A_287 = arith.muli %add3A_284, %mul3A_286 : vector<16xi32>
    %add3A_288 = arith.addi %mul3A_287, %get3A_280 : vector<16xi32>
    %swap3A_289 = arith.constant 112 : index
    %swap3A_290 = tpu.vector_load %arg8[%swap3A_289] {strides = array<i32>} : memref<128xi32, #tpu.memory_space<vmem>>, vector<16xi32>,
    %swap3A_291 = vector.shape_cast %swap3A_290 : vector<16xi32> to vector<16xi32>
    %swap3A_292 = vector.shape_cast %add3A_288 : vector<16xi32> to vector<16xi32>
    tpu.vector_store %arg8[%swap3A_289], %swap3A_292 {strides = array<i32>} : memref<128xi32, #tpu.memory_space<vmem>>, vector<16xi32>,
    %get3A_293 = arith.constant 256 : index
    %get3A_294 = tpu.vector_load %arg4[%get3A_293] {strides = array<i32>} : memref<512xi32, #tpu.memory_space<vmem>>, vector<16xi32>,
    %get3A_295 = vector.shape_cast %get3A_294 : vector<16xi32> to vector<16xi32>
    %add3A_296 = arith.constant 256 : i32
    %add3A_297 = arith.addi %mul3A_2, %add3A_296 : i32
    %add3A_298 = vector.broadcast %add3A_297 : i32 to vector<16xi32>
    %add3A_299 = arith.addi %add3A_298, %iota3A : vector<16xi32>
    %mul3A_300 = arith.constant 1024 : i32
    %mul3A_301 = vector.broadcast %mul3A_300 : i32 to vector<16xi32>
    %mul3A_302 = arith.muli %add3A_299, %mul3A_301 : vector<16xi32>
    %add3A_303 = arith.addi %mul3A_302, %get3A_295 : vector<16xi32>
    %swap3A_304 = arith.constant 0 : index
    %swap3A_305 = tpu.vector_load %arg9[%swap3A_304] {strides = array<i32>} : memref<128xi32, #tpu.memory_space<vmem>>, vector<16xi32>,
    %swap3A_306 = vector.shape_cast %swap3A_305 : vector<16xi32> to vector<16xi32>
    %swap3A_307 = vector.shape_cast %add3A_303 : vector<16xi32> to vector<16xi32>
    tpu.vector_store %arg9[%swap3A_304], %swap3A_307 {strides = array<i32>} : memref<128xi32, #tpu.memory_space<vmem>>, vector<16xi32>,
    %get3A_308 = arith.constant 272 : index
    %get3A_309 = tpu.vector_load %arg4[%get3A_308] {strides = array<i32>} : memref<512xi32, #tpu.memory_space<vmem>>, vector<16xi32>,
    %get3A_310 = vector.shape_cast %get3A_309 : vector<16xi32> to vector<16xi32>
    %add3A_311 = arith.constant 272 : i32
    %add3A_312 = arith.addi %mul3A_2, %add3A_311 : i32
    %add3A_313 = vector.broadcast %add3A_312 : i32 to vector<16xi32>
    %add3A_314 = arith.addi %add3A_313, %iota3A : vector<16xi32>
    %mul3A_315 = arith.constant 1024 : i32
    %mul3A_316 = vector.broadcast %mul3A_315 : i32 to vector<16xi32>
    %mul3A_317 = arith.muli %add3A_314, %mul3A_316 : vector<16xi32>
    %add3A_318 = arith.addi %mul3A_317, %get3A_310 : vector<16xi32>
    %swap3A_319 = arith.constant 16 : index
    %swap3A_320 = tpu.vector_load %arg9[%swap3A_319] {strides = array<i32>} : memref<128xi32, #tpu.memory_space<vmem>>, vector<16xi32>,
    %swap3A_321 = vector.shape_cast %swap3A_320 : vector<16xi32> to vector<16xi32>
    %swap3A_322 = vector.shape_cast %add3A_318 : vector<16xi32> to vector<16xi32>
    tpu.vector_store %arg9[%swap3A_319], %swap3A_322 {strides = array<i32>} : memref<128xi32, #tpu.memory_space<vmem>>, vector<16xi32>,
    %get3A_323 = arith.constant 288 : index
    %get3A_324 = tpu.vector_load %arg4[%get3A_323] {strides = array<i32>} : memref<512xi32, #tpu.memory_space<vmem>>, vector<16xi32>,
    %get3A_325 = vector.shape_cast %get3A_324 : vector<16xi32> to vector<16xi32>
    %add3A_326 = arith.constant 288 : i32
    %add3A_327 = arith.addi %mul3A_2, %add3A_326 : i32
    %add3A_328 = vector.broadcast %add3A_327 : i32 to vector<16xi32>
    %add3A_329 = arith.addi %add3A_328, %iota3A : vector<16xi32>
    %mul3A_330 = arith.constant 1024 : i32
    %mul3A_331 = vector.broadcast %mul3A_330 : i32 to vector<16xi32>
    %mul3A_332 = arith.muli %add3A_329, %mul3A_331 : vector<16xi32>
    %add3A_333 = arith.addi %mul3A_332, %get3A_325 : vector<16xi32>
    %swap3A_334 = arith.constant 32 : index
    %swap3A_335 = tpu.vector_load %arg9[%swap3A_334] {strides = array<i32>} : memref<128xi32, #tpu.memory_space<vmem>>, vector<16xi32>,
    %swap3A_336 = vector.shape_cast %swap3A_335 : vector<16xi32> to vector<16xi32>
    %swap3A_337 = vector.shape_cast %add3A_333 : vector<16xi32> to vector<16xi32>
    tpu.vector_store %arg9[%swap3A_334], %swap3A_337 {strides = array<i32>} : memref<128xi32, #tpu.memory_space<vmem>>, vector<16xi32>,
    %get3A_338 = arith.constant 304 : index
    %get3A_339 = tpu.vector_load %arg4[%get3A_338] {strides = array<i32>} : memref<512xi32, #tpu.memory_space<vmem>>, vector<16xi32>,
    %get3A_340 = vector.shape_cast %get3A_339 : vector<16xi32> to vector<16xi32>
    %add3A_341 = arith.constant 304 : i32
    %add3A_342 = arith.addi %mul3A_2, %add3A_341 : i32
    %add3A_343 = vector.broadcast %add3A_342 : i32 to vector<16xi32>
    %add3A_344 = arith.addi %add3A_343, %iota3A : vector<16xi32>
    %mul3A_345 = arith.constant 1024 : i32
    %mul3A_346 = vector.broadcast %mul3A_345 : i32 to vector<16xi32>
    %mul3A_347 = arith.muli %add3A_344, %mul3A_346 : vector<16xi32>
    %add3A_348 = arith.addi %mul3A_347, %get3A_340 : vector<16xi32>
    %swap3A_349 = arith.constant 48 : index
    %swap3A_350 = tpu.vector_load %arg9[%swap3A_349] {strides = array<i32>} : memref<128xi32, #tpu.memory_space<vmem>>, vector<16xi32>,
    %swap3A_351 = vector.shape_cast %swap3A_350 : vector<16xi32> to vector<16xi32>
    %swap3A_352 = vector.shape_cast %add3A_348 : vector<16xi32> to vector<16xi32>
    tpu.vector_store %arg9[%swap3A_349], %swap3A_352 {strides = array<i32>} : memref<128xi32, #tpu.memory_space<vmem>>, vector<16xi32>,
    %get3A_353 = arith.constant 320 : index
    %get3A_354 = tpu.vector_load %arg4[%get3A_353] {strides = array<i32>} : memref<512xi32, #tpu.memory_space<vmem>>, vector<16xi32>,
    %get3A_355 = vector.shape_cast %get3A_354 : vector<16xi32> to vector<16xi32>
    %add3A_356 = arith.constant 320 : i32
    %add3A_357 = arith.addi %mul3A_2, %add3A_356 : i32
    %add3A_358 = vector.broadcast %add3A_357 : i32 to vector<16xi32>
    %add3A_359 = arith.addi %add3A_358, %iota3A : vector<16xi32>
    %mul3A_360 = arith.constant 1024 : i32
    %mul3A_361 = vector.broadcast %mul3A_360 : i32 to vector<16xi32>
    %mul3A_362 = arith.muli %add3A_359, %mul3A_361 : vector<16xi32>
    %add3A_363 = arith.addi %mul3A_362, %get3A_355 : vector<16xi32>
    %swap3A_364 = arith.constant 64 : index
    %swap3A_365 = tpu.vector_load %arg9[%swap3A_364] {strides = array<i32>} : memref<128xi32, #tpu.memory_space<vmem>>, vector<16xi32>,
    %swap3A_366 = vector.shape_cast %swap3A_365 : vector<16xi32> to vector<16xi32>
    %swap3A_367 = vector.shape_cast %add3A_363 : vector<16xi32> to vector<16xi32>
    tpu.vector_store %arg9[%swap3A_364], %swap3A_367 {strides = array<i32>} : memref<128xi32, #tpu.memory_space<vmem>>, vector<16xi32>,
    %get3A_368 = arith.constant 336 : index
    %get3A_369 = tpu.vector_load %arg4[%get3A_368] {strides = array<i32>} : memref<512xi32, #tpu.memory_space<vmem>>, vector<16xi32>,
    %get3A_370 = vector.shape_cast %get3A_369 : vector<16xi32> to vector<16xi32>
    %add3A_371 = arith.constant 336 : i32
    %add3A_372 = arith.addi %mul3A_2, %add3A_371 : i32
    %add3A_373 = vector.broadcast %add3A_372 : i32 to vector<16xi32>
    %add3A_374 = arith.addi %add3A_373, %iota3A : vector<16xi32>
    %mul3A_375 = arith.constant 1024 : i32
    %mul3A_376 = vector.broadcast %mul3A_375 : i32 to vector<16xi32>
    %mul3A_377 = arith.muli %add3A_374, %mul3A_376 : vector<16xi32>
    %add3A_378 = arith.addi %mul3A_377, %get3A_370 : vector<16xi32>
    %swap3A_379 = arith.constant 80 : index
    %swap3A_380 = tpu.vector_load %arg9[%swap3A_379] {strides = array<i32>} : memref<128xi32, #tpu.memory_space<vmem>>, vector<16xi32>,
    %swap3A_381 = vector.shape_cast %swap3A_380 : vector<16xi32> to vector<16xi32>
    %swap3A_382 = vector.shape_cast %add3A_378 : vector<16xi32> to vector<16xi32>
    tpu.vector_store %arg9[%swap3A_379], %swap3A_382 {strides = array<i32>} : memref<128xi32, #tpu.memory_space<vmem>>, vector<16xi32>,
    %get3A_383 = arith.constant 352 : index
    %get3A_384 = tpu.vector_load %arg4[%get3A_383] {strides = array<i32>} : memref<512xi32, #tpu.memory_space<vmem>>, vector<16xi32>,
    %get3A_385 = vector.shape_cast %get3A_384 : vector<16xi32> to vector<16xi32>
    %add3A_386 = arith.constant 352 : i32
    %add3A_387 = arith.addi %mul3A_2, %add3A_386 : i32
    %add3A_388 = vector.broadcast %add3A_387 : i32 to vector<16xi32>
    %add3A_389 = arith.addi %add3A_388, %iota3A : vector<16xi32>
    %mul3A_390 = arith.constant 1024 : i32
    %mul3A_391 = vector.broadcast %mul3A_390 : i32 to vector<16xi32>
    %mul3A_392 = arith.muli %add3A_389, %mul3A_391 : vector<16xi32>
    %add3A_393 = arith.addi %mul3A_392, %get3A_385 : vector<16xi32>
    %swap3A_394 = arith.constant 96 : index
    %swap3A_395 = tpu.vector_load %arg9[%swap3A_394] {strides = array<i32>} : memref<128xi32, #tpu.memory_space<vmem>>, vector<16xi32>,
    %swap3A_396 = vector.shape_cast %swap3A_395 : vector<16xi32> to vector<16xi32>
    %swap3A_397 = vector.shape_cast %add3A_393 : vector<16xi32> to vector<16xi32>
    tpu.vector_store %arg9[%swap3A_394], %swap3A_397 {strides = array<i32>} : memref<128xi32, #tpu.memory_space<vmem>>, vector<16xi32>,
    %get3A_398 = arith.constant 368 : index
    %get3A_399 = tpu.vector_load %arg4[%get3A_398] {strides = array<i32>} : memref<512xi32, #tpu.memory_space<vmem>>, vector<16xi32>,
    %get3A_400 = vector.shape_cast %get3A_399 : vector<16xi32> to vector<16xi32>
    %add3A_401 = arith.constant 368 : i32
    %add3A_402 = arith.addi %mul3A_2, %add3A_401 : i32
    %add3A_403 = vector.broadcast %add3A_402 : i32 to vector<16xi32>
    %add3A_404 = arith.addi %add3A_403, %iota3A : vector<16xi32>
    %mul3A_405 = arith.constant 1024 : i32
    %mul3A_406 = vector.broadcast %mul3A_405 : i32 to vector<16xi32>
    %mul3A_407 = arith.muli %add3A_404, %mul3A_406 : vector<16xi32>
    %add3A_408 = arith.addi %mul3A_407, %get3A_400 : vector<16xi32>
    %swap3A_409 = arith.constant 112 : index
    %swap3A_410 = tpu.vector_load %arg9[%swap3A_409] {strides = array<i32>} : memref<128xi32, #tpu.memory_space<vmem>>, vector<16xi32>,
    %swap3A_411 = vector.shape_cast %swap3A_410 : vector<16xi32> to vector<16xi32>
    %swap3A_412 = vector.shape_cast %add3A_408 : vector<16xi32> to vector<16xi32>
    tpu.vector_store %arg9[%swap3A_409], %swap3A_412 {strides = array<i32>} : memref<128xi32, #tpu.memory_space<vmem>>, vector<16xi32>,
    %get3A_413 = arith.constant 384 : index
    %get3A_414 = tpu.vector_load %arg4[%get3A_413] {strides = array<i32>} : memref<512xi32, #tpu.memory_space<vmem>>, vector<16xi32>,
    %get3A_415 = vector.shape_cast %get3A_414 : vector<16xi32> to vector<16xi32>
    %add3A_416 = arith.constant 384 : i32
    %add3A_417 = arith.addi %mul3A_2, %add3A_416 : i32
    %add3A_418 = vector.broadcast %add3A_417 : i32 to vector<16xi32>
    %add3A_419 = arith.addi %add3A_418, %iota3A : vector<16xi32>
    %mul3A_420 = arith.constant 1024 : i32
    %mul3A_421 = vector.broadcast %mul3A_420 : i32 to vector<16xi32>
    %mul3A_422 = arith.muli %add3A_419, %mul3A_421 : vector<16xi32>
    %add3A_423 = arith.addi %mul3A_422, %get3A_415 : vector<16xi32>
    %swap3A_424 = arith.constant 0 : index
    %swap3A_425 = tpu.vector_load %arg10[%swap3A_424] {strides = array<i32>} : memref<128xi32, #tpu.memory_space<vmem>>, vector<16xi32>,
    %swap3A_426 = vector.shape_cast %swap3A_425 : vector<16xi32> to vector<16xi32>
    %swap3A_427 = vector.shape_cast %add3A_423 : vector<16xi32> to vector<16xi32>
    tpu.vector_store %arg10[%swap3A_424], %swap3A_427 {strides = array<i32>} : memref<128xi32, #tpu.memory_space<vmem>>, vector<16xi32>,
    %get3A_428 = arith.constant 400 : index
    %get3A_429 = tpu.vector_load %arg4[%get3A_428] {strides = array<i32>} : memref<512xi32, #tpu.memory_space<vmem>>, vector<16xi32>,
    %get3A_430 = vector.shape_cast %get3A_429 : vector<16xi32> to vector<16xi32>
    %add3A_431 = arith.constant 400 : i32
    %add3A_432 = arith.addi %mul3A_2, %add3A_431 : i32
    %add3A_433 = vector.broadcast %add3A_432 : i32 to vector<16xi32>
    %add3A_434 = arith.addi %add3A_433, %iota3A : vector<16xi32>
    %mul3A_435 = arith.constant 1024 : i32
    %mul3A_436 = vector.broadcast %mul3A_435 : i32 to vector<16xi32>
    %mul3A_437 = arith.muli %add3A_434, %mul3A_436 : vector<16xi32>
    %add3A_438 = arith.addi %mul3A_437, %get3A_430 : vector<16xi32>
    %swap3A_439 = arith.constant 16 : index
    %swap3A_440 = tpu.vector_load %arg10[%swap3A_439] {strides = array<i32>} : memref<128xi32, #tpu.memory_space<vmem>>, vector<16xi32>,
    %swap3A_441 = vector.shape_cast %swap3A_440 : vector<16xi32> to vector<16xi32>
    %swap3A_442 = vector.shape_cast %add3A_438 : vector<16xi32> to vector<16xi32>
    tpu.vector_store %arg10[%swap3A_439], %swap3A_442 {strides = array<i32>} : memref<128xi32, #tpu.memory_space<vmem>>, vector<16xi32>,
    %get3A_443 = arith.constant 416 : index
    %get3A_444 = tpu.vector_load %arg4[%get3A_443] {strides = array<i32>} : memref<512xi32, #tpu.memory_space<vmem>>, vector<16xi32>,
    %get3A_445 = vector.shape_cast %get3A_444 : vector<16xi32> to vector<16xi32>
    %add3A_446 = arith.constant 416 : i32
    %add3A_447 = arith.addi %mul3A_2, %add3A_446 : i32
    %add3A_448 = vector.broadcast %add3A_447 : i32 to vector<16xi32>
    %add3A_449 = arith.addi %add3A_448, %iota3A : vector<16xi32>
    %mul3A_450 = arith.constant 1024 : i32
    %mul3A_451 = vector.broadcast %mul3A_450 : i32 to vector<16xi32>
    %mul3A_452 = arith.muli %add3A_449, %mul3A_451 : vector<16xi32>
    %add3A_453 = arith.addi %mul3A_452, %get3A_445 : vector<16xi32>
    %swap3A_454 = arith.constant 32 : index
    %swap3A_455 = tpu.vector_load %arg10[%swap3A_454] {strides = array<i32>} : memref<128xi32, #tpu.memory_space<vmem>>, vector<16xi32>,
    %swap3A_456 = vector.shape_cast %swap3A_455 : vector<16xi32> to vector<16xi32>
    %swap3A_457 = vector.shape_cast %add3A_453 : vector<16xi32> to vector<16xi32>
    tpu.vector_store %arg10[%swap3A_454], %swap3A_457 {strides = array<i32>} : memref<128xi32, #tpu.memory_space<vmem>>, vector<16xi32>,
    %get3A_458 = arith.constant 432 : index
    %get3A_459 = tpu.vector_load %arg4[%get3A_458] {strides = array<i32>} : memref<512xi32, #tpu.memory_space<vmem>>, vector<16xi32>,
    %get3A_460 = vector.shape_cast %get3A_459 : vector<16xi32> to vector<16xi32>
    %add3A_461 = arith.constant 432 : i32
    %add3A_462 = arith.addi %mul3A_2, %add3A_461 : i32
    %add3A_463 = vector.broadcast %add3A_462 : i32 to vector<16xi32>
    %add3A_464 = arith.addi %add3A_463, %iota3A : vector<16xi32>
    %mul3A_465 = arith.constant 1024 : i32
    %mul3A_466 = vector.broadcast %mul3A_465 : i32 to vector<16xi32>
    %mul3A_467 = arith.muli %add3A_464, %mul3A_466 : vector<16xi32>
    %add3A_468 = arith.addi %mul3A_467, %get3A_460 : vector<16xi32>
    %swap3A_469 = arith.constant 48 : index
    %swap3A_470 = tpu.vector_load %arg10[%swap3A_469] {strides = array<i32>} : memref<128xi32, #tpu.memory_space<vmem>>, vector<16xi32>,
    %swap3A_471 = vector.shape_cast %swap3A_470 : vector<16xi32> to vector<16xi32>
    %swap3A_472 = vector.shape_cast %add3A_468 : vector<16xi32> to vector<16xi32>
    tpu.vector_store %arg10[%swap3A_469], %swap3A_472 {strides = array<i32>} : memref<128xi32, #tpu.memory_space<vmem>>, vector<16xi32>,
    %get3A_473 = arith.constant 448 : index
    %get3A_474 = tpu.vector_load %arg4[%get3A_473] {strides = array<i32>} : memref<512xi32, #tpu.memory_space<vmem>>, vector<16xi32>,
    %get3A_475 = vector.shape_cast %get3A_474 : vector<16xi32> to vector<16xi32>
    %add3A_476 = arith.constant 448 : i32
    %add3A_477 = arith.addi %mul3A_2, %add3A_476 : i32
    %add3A_478 = vector.broadcast %add3A_477 : i32 to vector<16xi32>
    %add3A_479 = arith.addi %add3A_478, %iota3A : vector<16xi32>
    %mul3A_480 = arith.constant 1024 : i32
    %mul3A_481 = vector.broadcast %mul3A_480 : i32 to vector<16xi32>
    %mul3A_482 = arith.muli %add3A_479, %mul3A_481 : vector<16xi32>
    %add3A_483 = arith.addi %mul3A_482, %get3A_475 : vector<16xi32>
    %swap3A_484 = arith.constant 64 : index
    %swap3A_485 = tpu.vector_load %arg10[%swap3A_484] {strides = array<i32>} : memref<128xi32, #tpu.memory_space<vmem>>, vector<16xi32>,
    %swap3A_486 = vector.shape_cast %swap3A_485 : vector<16xi32> to vector<16xi32>
    %swap3A_487 = vector.shape_cast %add3A_483 : vector<16xi32> to vector<16xi32>
    tpu.vector_store %arg10[%swap3A_484], %swap3A_487 {strides = array<i32>} : memref<128xi32, #tpu.memory_space<vmem>>, vector<16xi32>,
    %get3A_488 = arith.constant 464 : index
    %get3A_489 = tpu.vector_load %arg4[%get3A_488] {strides = array<i32>} : memref<512xi32, #tpu.memory_space<vmem>>, vector<16xi32>,
    %get3A_490 = vector.shape_cast %get3A_489 : vector<16xi32> to vector<16xi32>
    %add3A_491 = arith.constant 464 : i32
    %add3A_492 = arith.addi %mul3A_2, %add3A_491 : i32
    %add3A_493 = vector.broadcast %add3A_492 : i32 to vector<16xi32>
    %add3A_494 = arith.addi %add3A_493, %iota3A : vector<16xi32>
    %mul3A_495 = arith.constant 1024 : i32
    %mul3A_496 = vector.broadcast %mul3A_495 : i32 to vector<16xi32>
    %mul3A_497 = arith.muli %add3A_494, %mul3A_496 : vector<16xi32>
    %add3A_498 = arith.addi %mul3A_497, %get3A_490 : vector<16xi32>
    %swap3A_499 = arith.constant 80 : index
    %swap3A_500 = tpu.vector_load %arg10[%swap3A_499] {strides = array<i32>} : memref<128xi32, #tpu.memory_space<vmem>>, vector<16xi32>,
    %swap3A_501 = vector.shape_cast %swap3A_500 : vector<16xi32> to vector<16xi32>
    %swap3A_502 = vector.shape_cast %add3A_498 : vector<16xi32> to vector<16xi32>
    tpu.vector_store %arg10[%swap3A_499], %swap3A_502 {strides = array<i32>} : memref<128xi32, #tpu.memory_space<vmem>>, vector<16xi32>,
    %get3A_503 = arith.constant 480 : index
    %get3A_504 = tpu.vector_load %arg4[%get3A_503] {strides = array<i32>} : memref<512xi32, #tpu.memory_space<vmem>>, vector<16xi32>,
    %get3A_505 = vector.shape_cast %get3A_504 : vector<16xi32> to vector<16xi32>
    %add3A_506 = arith.constant 480 : i32
    %add3A_507 = arith.addi %mul3A_2, %add3A_506 : i32
    %add3A_508 = vector.broadcast %add3A_507 : i32 to vector<16xi32>
    %add3A_509 = arith.addi %add3A_508, %iota3A : vector<16xi32>
    %mul3A_510 = arith.constant 1024 : i32
    %mul3A_511 = vector.broadcast %mul3A_510 : i32 to vector<16xi32>
    %mul3A_512 = arith.muli %add3A_509, %mul3A_511 : vector<16xi32>
    %add3A_513 = arith.addi %mul3A_512, %get3A_505 : vector<16xi32>
    %swap3A_514 = arith.constant 96 : index
    %swap3A_515 = tpu.vector_load %arg10[%swap3A_514] {strides = array<i32>} : memref<128xi32, #tpu.memory_space<vmem>>, vector<16xi32>,
    %swap3A_516 = vector.shape_cast %swap3A_515 : vector<16xi32> to vector<16xi32>
    %swap3A_517 = vector.shape_cast %add3A_513 : vector<16xi32> to vector<16xi32>
    tpu.vector_store %arg10[%swap3A_514], %swap3A_517 {strides = array<i32>} : memref<128xi32, #tpu.memory_space<vmem>>, vector<16xi32>,
    %get3A_518 = arith.constant 496 : index
    %get3A_519 = tpu.vector_load %arg4[%get3A_518] {strides = array<i32>} : memref<512xi32, #tpu.memory_space<vmem>>, vector<16xi32>,
    %get3A_520 = vector.shape_cast %get3A_519 : vector<16xi32> to vector<16xi32>
    %add3A_521 = arith.constant 496 : i32
    %add3A_522 = arith.addi %mul3A_2, %add3A_521 : i32
    %add3A_523 = vector.broadcast %add3A_522 : i32 to vector<16xi32>
    %add3A_524 = arith.addi %add3A_523, %iota3A : vector<16xi32>
    %mul3A_525 = arith.constant 1024 : i32
    %mul3A_526 = vector.broadcast %mul3A_525 : i32 to vector<16xi32>
    %mul3A_527 = arith.muli %add3A_524, %mul3A_526 : vector<16xi32>
    %add3A_528 = arith.addi %mul3A_527, %get3A_520 : vector<16xi32>
    %swap3A_529 = arith.constant 112 : index
    %swap3A_530 = tpu.vector_load %arg10[%swap3A_529] {strides = array<i32>} : memref<128xi32, #tpu.memory_space<vmem>>, vector<16xi32>,
    %swap3A_531 = vector.shape_cast %swap3A_530 : vector<16xi32> to vector<16xi32>
    %swap3A_532 = vector.shape_cast %add3A_528 : vector<16xi32> to vector<16xi32>
    tpu.vector_store %arg10[%swap3A_529], %swap3A_532 {strides = array<i32>} : memref<128xi32, #tpu.memory_space<vmem>>, vector<16xi32>,
    %add3A_533 = arith.constant 0 : i32
    %add3A_534 = arith.addi %mul3A_2, %add3A_533 : i32
    %mul3A_535 = arith.constant 1024 : i32
    %mul3A_536 = arith.muli %add3A_534, %mul3A_535 : i32
    %dma_start3A = tpu.memref_slice %arg3[%mul3A_536] : memref<16777216xf32, #tpu.memory_space<hbm>> -> memref<32768xf32, #tpu.memory_space<hbm>>
    %dma_start3A_537 = tpu.memref_slice %arg3[%mul3A_536] : memref<16777216xf32, #tpu.memory_space<hbm>> -> memref<32768xf32, #tpu.memory_space<hbm>>
    tpu.enqueue_dma source(%arg5 : memref<32768xf32, #tpu.memory_space<vmem>>) target(%dma_start3A_537 : memref<32768xf32, #tpu.memory_space<hbm>>) target_semaphore(%arg11 : memref<!tpu.dma_semaphore, #tpu.memory_space<semaphore_mem>>)
    %add3A_538 = arith.constant 32 : i32
    %add3A_539 = arith.addi %mul3A_2, %add3A_538 : i32
    %mul3A_540 = arith.constant 1024 : i32
    %mul3A_541 = arith.muli %add3A_539, %mul3A_540 : i32
    %dma_start3A_542 = tpu.memref_slice %arg3[%mul3A_541] : memref<16777216xf32, #tpu.memory_space<hbm>> -> memref<32768xf32, #tpu.memory_space<hbm>>
    %dma_start3A_543 = tpu.memref_slice %arg3[%mul3A_541] : memref<16777216xf32, #tpu.memory_space<hbm>> -> memref<32768xf32, #tpu.memory_space<hbm>>
    tpu.enqueue_dma source(%arg5 : memref<32768xf32, #tpu.memory_space<vmem>>) target(%dma_start3A_543 : memref<32768xf32, #tpu.memory_space<hbm>>) target_semaphore(%arg11 : memref<!tpu.dma_semaphore, #tpu.memory_space<semaphore_mem>>)
    %add3A_544 = arith.constant 64 : i32
    %add3A_545 = arith.addi %mul3A_2, %add3A_544 : i32
    %mul3A_546 = arith.constant 1024 : i32
    %mul3A_547 = arith.muli %add3A_545, %mul3A_546 : i32
    %dma_start3A_548 = tpu.memref_slice %arg3[%mul3A_547] : memref<16777216xf32, #tpu.memory_space<hbm>> -> memref<32768xf32, #tpu.memory_space<hbm>>
    %dma_start3A_549 = tpu.memref_slice %arg3[%mul3A_547] : memref<16777216xf32, #tpu.memory_space<hbm>> -> memref<32768xf32, #tpu.memory_space<hbm>>
    tpu.enqueue_dma source(%arg5 : memref<32768xf32, #tpu.memory_space<vmem>>) target(%dma_start3A_549 : memref<32768xf32, #tpu.memory_space<hbm>>) target_semaphore(%arg11 : memref<!tpu.dma_semaphore, #tpu.memory_space<semaphore_mem>>)
    %add3A_550 = arith.constant 96 : i32
    %add3A_551 = arith.addi %mul3A_2, %add3A_550 : i32
    %mul3A_552 = arith.constant 1024 : i32
    %mul3A_553 = arith.muli %add3A_551, %mul3A_552 : i32
    %dma_start3A_554 = tpu.memref_slice %arg3[%mul3A_553] : memref<16777216xf32, #tpu.memory_space<hbm>> -> memref<32768xf32, #tpu.memory_space<hbm>>
    %dma_start3A_555 = tpu.memref_slice %arg3[%mul3A_553] : memref<16777216xf32, #tpu.memory_space<hbm>> -> memref<32768xf32, #tpu.memory_space<hbm>>
    tpu.enqueue_dma source(%arg5 : memref<32768xf32, #tpu.memory_space<vmem>>) target(%dma_start3A_555 : memref<32768xf32, #tpu.memory_space<hbm>>) target_semaphore(%arg11 : memref<!tpu.dma_semaphore, #tpu.memory_space<semaphore_mem>>)
    %add3A_556 = arith.constant 128 : i32
    %add3A_557 = arith.addi %mul3A_2, %add3A_556 : i32
    %mul3A_558 = arith.constant 1024 : i32
    %mul3A_559 = arith.muli %add3A_557, %mul3A_558 : i32
    %dma_start3A_560 = tpu.memref_slice %arg3[%mul3A_559] : memref<16777216xf32, #tpu.memory_space<hbm>> -> memref<32768xf32, #tpu.memory_space<hbm>>
    %dma_start3A_561 = tpu.memref_slice %arg3[%mul3A_559] : memref<16777216xf32, #tpu.memory_space<hbm>> -> memref<32768xf32, #tpu.memory_space<hbm>>
    tpu.enqueue_dma source(%arg5 : memref<32768xf32, #tpu.memory_space<vmem>>) target(%dma_start3A_561 : memref<32768xf32, #tpu.memory_space<hbm>>) target_semaphore(%arg11 : memref<!tpu.dma_semaphore, #tpu.memory_space<semaphore_mem>>)
    %add3A_562 = arith.constant 160 : i32
    %add3A_563 = arith.addi %mul3A_2, %add3A_562 : i32
    %mul3A_564 = arith.constant 1024 : i32
    %mul3A_565 = arith.muli %add3A_563, %mul3A_564 : i32
    %dma_start3A_566 = tpu.memref_slice %arg3[%mul3A_565] : memref<16777216xf32, #tpu.memory_space<hbm>> -> memref<32768xf32, #tpu.memory_space<hbm>>
    %dma_start3A_567 = tpu.memref_slice %arg3[%mul3A_565] : memref<16777216xf32, #tpu.memory_space<hbm>> -> memref<32768xf32, #tpu.memory_space<hbm>>
    tpu.enqueue_dma source(%arg5 : memref<32768xf32, #tpu.memory_space<vmem>>) target(%dma_start3A_567 : memref<32768xf32, #tpu.memory_space<hbm>>) target_semaphore(%arg11 : memref<!tpu.dma_semaphore, #tpu.memory_space<semaphore_mem>>)
    %add3A_568 = arith.constant 192 : i32
    %add3A_569 = arith.addi %mul3A_2, %add3A_568 : i32
    %mul3A_570 = arith.constant 1024 : i32
    %mul3A_571 = arith.muli %add3A_569, %mul3A_570 : i32
    %dma_start3A_572 = tpu.memref_slice %arg3[%mul3A_571] : memref<16777216xf32, #tpu.memory_space<hbm>> -> memref<32768xf32, #tpu.memory_space<hbm>>
    %dma_start3A_573 = tpu.memref_slice %arg3[%mul3A_571] : memref<16777216xf32, #tpu.memory_space<hbm>> -> memref<32768xf32, #tpu.memory_space<hbm>>
    tpu.enqueue_dma source(%arg5 : memref<32768xf32, #tpu.memory_space<vmem>>) target(%dma_start3A_573 : memref<32768xf32, #tpu.memory_space<hbm>>) target_semaphore(%arg11 : memref<!tpu.dma_semaphore, #tpu.memory_space<semaphore_mem>>)
    %add3A_574 = arith.constant 224 : i32
    %add3A_575 = arith.addi %mul3A_2, %add3A_574 : i32
    %mul3A_576 = arith.constant 1024 : i32
    %mul3A_577 = arith.muli %add3A_575, %mul3A_576 : i32
    %dma_start3A_578 = tpu.memref_slice %arg3[%mul3A_577] : memref<16777216xf32, #tpu.memory_space<hbm>> -> memref<32768xf32, #tpu.memory_space<hbm>>
    %dma_start3A_579 = tpu.memref_slice %arg3[%mul3A_577] : memref<16777216xf32, #tpu.memory_space<hbm>> -> memref<32768xf32, #tpu.memory_space<hbm>>
    tpu.enqueue_dma source(%arg5 : memref<32768xf32, #tpu.memory_space<vmem>>) target(%dma_start3A_579 : memref<32768xf32, #tpu.memory_space<hbm>>) target_semaphore(%arg11 : memref<!tpu.dma_semaphore, #tpu.memory_space<semaphore_mem>>)
    %add3A_580 = arith.constant 256 : i32
    %add3A_581 = arith.addi %mul3A_2, %add3A_580 : i32
    %mul3A_582 = arith.constant 1024 : i32
    %mul3A_583 = arith.muli %add3A_581, %mul3A_582 : i32
    %dma_start3A_584 = tpu.memref_slice %arg3[%mul3A_583] : memref<16777216xf32, #tpu.memory_space<hbm>> -> memref<32768xf32, #tpu.memory_space<hbm>>
    %dma_start3A_585 = tpu.memref_slice %arg3[%mul3A_583] : memref<16777216xf32, #tpu.memory_space<hbm>> -> memref<32768xf32, #tpu.memory_space<hbm>>
    tpu.enqueue_dma source(%arg5 : memref<32768xf32, #tpu.memory_space<vmem>>) target(%dma_start3A_585 : memref<32768xf32, #tpu.memory_space<hbm>>) target_semaphore(%arg11 : memref<!tpu.dma_semaphore, #tpu.memory_space<semaphore_mem>>)
    %add3A_586 = arith.constant 288 : i32
    %add3A_587 = arith.addi %mul3A_2, %add3A_586 : i32
    %mul3A_588 = arith.constant 1024 : i32
    %mul3A_589 = arith.muli %add3A_587, %mul3A_588 : i32
    %dma_start3A_590 = tpu.memref_slice %arg3[%mul3A_589] : memref<16777216xf32, #tpu.memory_space<hbm>> -> memref<32768xf32, #tpu.memory_space<hbm>>
    %dma_start3A_591 = tpu.memref_slice %arg3[%mul3A_589] : memref<16777216xf32, #tpu.memory_space<hbm>> -> memref<32768xf32, #tpu.memory_space<hbm>>
    tpu.enqueue_dma source(%arg5 : memref<32768xf32, #tpu.memory_space<vmem>>) target(%dma_start3A_591 : memref<32768xf32, #tpu.memory_space<hbm>>) target_semaphore(%arg11 : memref<!tpu.dma_semaphore, #tpu.memory_space<semaphore_mem>>)
    %add3A_592 = arith.constant 320 : i32
    %add3A_593 = arith.addi %mul3A_2, %add3A_592 : i32
    %mul3A_594 = arith.constant 1024 : i32
    %mul3A_595 = arith.muli %add3A_593, %mul3A_594 : i32
    %dma_start3A_596 = tpu.memref_slice %arg3[%mul3A_595] : memref<16777216xf32, #tpu.memory_space<hbm>> -> memref<32768xf32, #tpu.memory_space<hbm>>
    %dma_start3A_597 = tpu.memref_slice %arg3[%mul3A_595] : memref<16777216xf32, #tpu.memory_space<hbm>> -> memref<32768xf32, #tpu.memory_space<hbm>>
    tpu.enqueue_dma source(%arg5 : memref<32768xf32, #tpu.memory_space<vmem>>) target(%dma_start3A_597 : memref<32768xf32, #tpu.memory_space<hbm>>) target_semaphore(%arg11 : memref<!tpu.dma_semaphore, #tpu.memory_space<semaphore_mem>>)
    %add3A_598 = arith.constant 352 : i32
    %add3A_599 = arith.addi %mul3A_2, %add3A_598 : i32
    %mul3A_600 = arith.constant 1024 : i32
    %mul3A_601 = arith.muli %add3A_599, %mul3A_600 : i32
    %dma_start3A_602 = tpu.memref_slice %arg3[%mul3A_601] : memref<16777216xf32, #tpu.memory_space<hbm>> -> memref<32768xf32, #tpu.memory_space<hbm>>
    %dma_start3A_603 = tpu.memref_slice %arg3[%mul3A_601] : memref<16777216xf32, #tpu.memory_space<hbm>> -> memref<32768xf32, #tpu.memory_space<hbm>>
    tpu.enqueue_dma source(%arg5 : memref<32768xf32, #tpu.memory_space<vmem>>) target(%dma_start3A_603 : memref<32768xf32, #tpu.memory_space<hbm>>) target_semaphore(%arg11 : memref<!tpu.dma_semaphore, #tpu.memory_space<semaphore_mem>>)
    %add3A_604 = arith.constant 384 : i32
    %add3A_605 = arith.addi %mul3A_2, %add3A_604 : i32
    %mul3A_606 = arith.constant 1024 : i32
    %mul3A_607 = arith.muli %add3A_605, %mul3A_606 : i32
    %dma_start3A_608 = tpu.memref_slice %arg3[%mul3A_607] : memref<16777216xf32, #tpu.memory_space<hbm>> -> memref<32768xf32, #tpu.memory_space<hbm>>
    %dma_start3A_609 = tpu.memref_slice %arg3[%mul3A_607] : memref<16777216xf32, #tpu.memory_space<hbm>> -> memref<32768xf32, #tpu.memory_space<hbm>>
    tpu.enqueue_dma source(%arg5 : memref<32768xf32, #tpu.memory_space<vmem>>) target(%dma_start3A_609 : memref<32768xf32, #tpu.memory_space<hbm>>) target_semaphore(%arg11 : memref<!tpu.dma_semaphore, #tpu.memory_space<semaphore_mem>>)
    %add3A_610 = arith.constant 416 : i32
    %add3A_611 = arith.addi %mul3A_2, %add3A_610 : i32
    %mul3A_612 = arith.constant 1024 : i32
    %mul3A_613 = arith.muli %add3A_611, %mul3A_612 : i32
    %dma_start3A_614 = tpu.memref_slice %arg3[%mul3A_613] : memref<16777216xf32, #tpu.memory_space<hbm>> -> memref<32768xf32, #tpu.memory_space<hbm>>
    %dma_start3A_615 = tpu.memref_slice %arg3[%mul3A_613] : memref<16777216xf32, #tpu.memory_space<hbm>> -> memref<32768xf32, #tpu.memory_space<hbm>>
    tpu.enqueue_dma source(%arg5 : memref<32768xf32, #tpu.memory_space<vmem>>) target(%dma_start3A_615 : memref<32768xf32, #tpu.memory_space<hbm>>) target_semaphore(%arg11 : memref<!tpu.dma_semaphore, #tpu.memory_space<semaphore_mem>>)
    %add3A_616 = arith.constant 448 : i32
    %add3A_617 = arith.addi %mul3A_2, %add3A_616 : i32
    %mul3A_618 = arith.constant 1024 : i32
    %mul3A_619 = arith.muli %add3A_617, %mul3A_618 : i32
    %dma_start3A_620 = tpu.memref_slice %arg3[%mul3A_619] : memref<16777216xf32, #tpu.memory_space<hbm>> -> memref<32768xf32, #tpu.memory_space<hbm>>
    %dma_start3A_621 = tpu.memref_slice %arg3[%mul3A_619] : memref<16777216xf32, #tpu.memory_space<hbm>> -> memref<32768xf32, #tpu.memory_space<hbm>>
    tpu.enqueue_dma source(%arg5 : memref<32768xf32, #tpu.memory_space<vmem>>) target(%dma_start3A_621 : memref<32768xf32, #tpu.memory_space<hbm>>) target_semaphore(%arg11 : memref<!tpu.dma_semaphore, #tpu.memory_space<semaphore_mem>>)
    %add3A_622 = arith.constant 480 : i32
    %add3A_623 = arith.addi %mul3A_2, %add3A_622 : i32
    %mul3A_624 = arith.constant 1024 : i32
    %mul3A_625 = arith.muli %add3A_623, %mul3A_624 : i32
    %dma_start3A_626 = tpu.memref_slice %arg3[%mul3A_625] : memref<16777216xf32, #tpu.memory_space<hbm>> -> memref<32768xf32, #tpu.memory_space<hbm>>
    %dma_start3A_627 = tpu.memref_slice %arg3[%mul3A_625] : memref<16777216xf32, #tpu.memory_space<hbm>> -> memref<32768xf32, #tpu.memory_space<hbm>>
    tpu.enqueue_dma source(%arg5 : memref<32768xf32, #tpu.memory_space<vmem>>) target(%dma_start3A_627 : memref<32768xf32, #tpu.memory_space<hbm>>) target_semaphore(%arg11 : memref<!tpu.dma_semaphore, #tpu.memory_space<semaphore_mem>>)
    %dma_wait3A = tpu.memref_slice %arg3[%mul3A_536] : memref<16777216xf32, #tpu.memory_space<hbm>> -> memref<32768xf32, #tpu.memory_space<hbm>>
    %dma_wait3A_628 = tpu.memref_slice %arg3[%mul3A_536] : memref<16777216xf32, #tpu.memory_space<hbm>> -> memref<32768xf32, #tpu.memory_space<hbm>>
    tpu.wait_dma2 semaphore(%arg11 : memref<!tpu.dma_semaphore, #tpu.memory_space<semaphore_mem>>) src(%arg5 : memref<32768xf32, #tpu.memory_space<vmem>>) dst(%dma_wait3A_628 : memref<32768xf32, #tpu.memory_space<hbm>>)
    %dma_wait3A_629 = tpu.memref_slice %arg3[%mul3A_541] : memref<16777216xf32, #tpu.memory_space<hbm>> -> memref<32768xf32, #tpu.memory_space<hbm>>
    %dma_wait3A_630 = tpu.memref_slice %arg3[%mul3A_541] : memref<16777216xf32, #tpu.memory_space<hbm>> -> memref<32768xf32, #tpu.memory_space<hbm>>
    tpu.wait_dma2 semaphore(%arg11 : memref<!tpu.dma_semaphore, #tpu.memory_space<semaphore_mem>>) src(%arg5 : memref<32768xf32, #tpu.memory_space<vmem>>) dst(%dma_wait3A_630 : memref<32768xf32, #tpu.memory_space<hbm>>)
    %dma_wait3A_631 = tpu.memref_slice %arg3[%mul3A_547] : memref<16777216xf32, #tpu.memory_space<hbm>> -> memref<32768xf32, #tpu.memory_space<hbm>>
    %dma_wait3A_632 = tpu.memref_slice %arg3[%mul3A_547] : memref<16777216xf32, #tpu.memory_space<hbm>> -> memref<32768xf32, #tpu.memory_space<hbm>>
    tpu.wait_dma2 semaphore(%arg11 : memref<!tpu.dma_semaphore, #tpu.memory_space<semaphore_mem>>) src(%arg5 : memref<32768xf32, #tpu.memory_space<vmem>>) dst(%dma_wait3A_632 : memref<32768xf32, #tpu.memory_space<hbm>>)
    %dma_wait3A_633 = tpu.memref_slice %arg3[%mul3A_553] : memref<16777216xf32, #tpu.memory_space<hbm>> -> memref<32768xf32, #tpu.memory_space<hbm>>
    %dma_wait3A_634 = tpu.memref_slice %arg3[%mul3A_553] : memref<16777216xf32, #tpu.memory_space<hbm>> -> memref<32768xf32, #tpu.memory_space<hbm>>
    tpu.wait_dma2 semaphore(%arg11 : memref<!tpu.dma_semaphore, #tpu.memory_space<semaphore_mem>>) src(%arg5 : memref<32768xf32, #tpu.memory_space<vmem>>) dst(%dma_wait3A_634 : memref<32768xf32, #tpu.memory_space<hbm>>)
    %dma_wait3A_635 = tpu.memref_slice %arg3[%mul3A_559] : memref<16777216xf32, #tpu.memory_space<hbm>> -> memref<32768xf32, #tpu.memory_space<hbm>>
    %dma_wait3A_636 = tpu.memref_slice %arg3[%mul3A_559] : memref<16777216xf32, #tpu.memory_space<hbm>> -> memref<32768xf32, #tpu.memory_space<hbm>>
    tpu.wait_dma2 semaphore(%arg11 : memref<!tpu.dma_semaphore, #tpu.memory_space<semaphore_mem>>) src(%arg5 : memref<32768xf32, #tpu.memory_space<vmem>>) dst(%dma_wait3A_636 : memref<32768xf32, #tpu.memory_space<hbm>>)
    %dma_wait3A_637 = tpu.memref_slice %arg3[%mul3A_565] : memref<16777216xf32, #tpu.memory_space<hbm>> -> memref<32768xf32, #tpu.memory_space<hbm>>
    %dma_wait3A_638 = tpu.memref_slice %arg3[%mul3A_565] : memref<16777216xf32, #tpu.memory_space<hbm>> -> memref<32768xf32, #tpu.memory_space<hbm>>
    tpu.wait_dma2 semaphore(%arg11 : memref<!tpu.dma_semaphore, #tpu.memory_space<semaphore_mem>>) src(%arg5 : memref<32768xf32, #tpu.memory_space<vmem>>) dst(%dma_wait3A_638 : memref<32768xf32, #tpu.memory_space<hbm>>)
    %dma_wait3A_639 = tpu.memref_slice %arg3[%mul3A_571] : memref<16777216xf32, #tpu.memory_space<hbm>> -> memref<32768xf32, #tpu.memory_space<hbm>>
    %dma_wait3A_640 = tpu.memref_slice %arg3[%mul3A_571] : memref<16777216xf32, #tpu.memory_space<hbm>> -> memref<32768xf32, #tpu.memory_space<hbm>>
    tpu.wait_dma2 semaphore(%arg11 : memref<!tpu.dma_semaphore, #tpu.memory_space<semaphore_mem>>) src(%arg5 : memref<32768xf32, #tpu.memory_space<vmem>>) dst(%dma_wait3A_640 : memref<32768xf32, #tpu.memory_space<hbm>>)
    %dma_wait3A_641 = tpu.memref_slice %arg3[%mul3A_577] : memref<16777216xf32, #tpu.memory_space<hbm>> -> memref<32768xf32, #tpu.memory_space<hbm>>
    %dma_wait3A_642 = tpu.memref_slice %arg3[%mul3A_577] : memref<16777216xf32, #tpu.memory_space<hbm>> -> memref<32768xf32, #tpu.memory_space<hbm>>
    tpu.wait_dma2 semaphore(%arg11 : memref<!tpu.dma_semaphore, #tpu.memory_space<semaphore_mem>>) src(%arg5 : memref<32768xf32, #tpu.memory_space<vmem>>) dst(%dma_wait3A_642 : memref<32768xf32, #tpu.memory_space<hbm>>)
    %dma_wait3A_643 = tpu.memref_slice %arg3[%mul3A_583] : memref<16777216xf32, #tpu.memory_space<hbm>> -> memref<32768xf32, #tpu.memory_space<hbm>>
    %dma_wait3A_644 = tpu.memref_slice %arg3[%mul3A_583] : memref<16777216xf32, #tpu.memory_space<hbm>> -> memref<32768xf32, #tpu.memory_space<hbm>>
    tpu.wait_dma2 semaphore(%arg11 : memref<!tpu.dma_semaphore, #tpu.memory_space<semaphore_mem>>) src(%arg5 : memref<32768xf32, #tpu.memory_space<vmem>>) dst(%dma_wait3A_644 : memref<32768xf32, #tpu.memory_space<hbm>>)
    %dma_wait3A_645 = tpu.memref_slice %arg3[%mul3A_589] : memref<16777216xf32, #tpu.memory_space<hbm>> -> memref<32768xf32, #tpu.memory_space<hbm>>
    %dma_wait3A_646 = tpu.memref_slice %arg3[%mul3A_589] : memref<16777216xf32, #tpu.memory_space<hbm>> -> memref<32768xf32, #tpu.memory_space<hbm>>
    tpu.wait_dma2 semaphore(%arg11 : memref<!tpu.dma_semaphore, #tpu.memory_space<semaphore_mem>>) src(%arg5 : memref<32768xf32, #tpu.memory_space<vmem>>) dst(%dma_wait3A_646 : memref<32768xf32, #tpu.memory_space<hbm>>)
    %dma_wait3A_647 = tpu.memref_slice %arg3[%mul3A_595] : memref<16777216xf32, #tpu.memory_space<hbm>> -> memref<32768xf32, #tpu.memory_space<hbm>>
    %dma_wait3A_648 = tpu.memref_slice %arg3[%mul3A_595] : memref<16777216xf32, #tpu.memory_space<hbm>> -> memref<32768xf32, #tpu.memory_space<hbm>>
    tpu.wait_dma2 semaphore(%arg11 : memref<!tpu.dma_semaphore, #tpu.memory_space<semaphore_mem>>) src(%arg5 : memref<32768xf32, #tpu.memory_space<vmem>>) dst(%dma_wait3A_648 : memref<32768xf32, #tpu.memory_space<hbm>>)
    %dma_wait3A_649 = tpu.memref_slice %arg3[%mul3A_601] : memref<16777216xf32, #tpu.memory_space<hbm>> -> memref<32768xf32, #tpu.memory_space<hbm>>
    %dma_wait3A_650 = tpu.memref_slice %arg3[%mul3A_601] : memref<16777216xf32, #tpu.memory_space<hbm>> -> memref<32768xf32, #tpu.memory_space<hbm>>
    tpu.wait_dma2 semaphore(%arg11 : memref<!tpu.dma_semaphore, #tpu.memory_space<semaphore_mem>>) src(%arg5 : memref<32768xf32, #tpu.memory_space<vmem>>) dst(%dma_wait3A_650 : memref<32768xf32, #tpu.memory_space<hbm>>)
    %dma_wait3A_651 = tpu.memref_slice %arg3[%mul3A_607] : memref<16777216xf32, #tpu.memory_space<hbm>> -> memref<32768xf32, #tpu.memory_space<hbm>>
    %dma_wait3A_652 = tpu.memref_slice %arg3[%mul3A_607] : memref<16777216xf32, #tpu.memory_space<hbm>> -> memref<32768xf32, #tpu.memory_space<hbm>>
    tpu.wait_dma2 semaphore(%arg11 : memref<!tpu.dma_semaphore, #tpu.memory_space<semaphore_mem>>) src(%arg5 : memref<32768xf32, #tpu.memory_space<vmem>>) dst(%dma_wait3A_652 : memref<32768xf32, #tpu.memory_space<hbm>>)
    %dma_wait3A_653 = tpu.memref_slice %arg3[%mul3A_613] : memref<16777216xf32, #tpu.memory_space<hbm>> -> memref<32768xf32, #tpu.memory_space<hbm>>
    %dma_wait3A_654 = tpu.memref_slice %arg3[%mul3A_613] : memref<16777216xf32, #tpu.memory_space<hbm>> -> memref<32768xf32, #tpu.memory_space<hbm>>
    tpu.wait_dma2 semaphore(%arg11 : memref<!tpu.dma_semaphore, #tpu.memory_space<semaphore_mem>>) src(%arg5 : memref<32768xf32, #tpu.memory_space<vmem>>) dst(%dma_wait3A_654 : memref<32768xf32, #tpu.memory_space<hbm>>)
    %dma_wait3A_655 = tpu.memref_slice %arg3[%mul3A_619] : memref<16777216xf32, #tpu.memory_space<hbm>> -> memref<32768xf32, #tpu.memory_space<hbm>>
    %dma_wait3A_656 = tpu.memref_slice %arg3[%mul3A_619] : memref<16777216xf32, #tpu.memory_space<hbm>> -> memref<32768xf32, #tpu.memory_space<hbm>>
    tpu.wait_dma2 semaphore(%arg11 : memref<!tpu.dma_semaphore, #tpu.memory_space<semaphore_mem>>) src(%arg5 : memref<32768xf32, #tpu.memory_space<vmem>>) dst(%dma_wait3A_656 : memref<32768xf32, #tpu.memory_space<hbm>>)
    %dma_wait3A_657 = tpu.memref_slice %arg3[%mul3A_625] : memref<16777216xf32, #tpu.memory_space<hbm>> -> memref<32768xf32, #tpu.memory_space<hbm>>
    %dma_wait3A_658 = tpu.memref_slice %arg3[%mul3A_625] : memref<16777216xf32, #tpu.memory_space<hbm>> -> memref<32768xf32, #tpu.memory_space<hbm>>
    tpu.wait_dma2 semaphore(%arg11 : memref<!tpu.dma_semaphore, #tpu.memory_space<semaphore_mem>>) src(%arg5 : memref<32768xf32, #tpu.memory_space<vmem>>) dst(%dma_wait3A_658 : memref<32768xf32, #tpu.memory_space<hbm>>)
    %dma_start3A_659 = arith.constant 0 : i32
    %dma_start3A_660 = tpu.memref_slice %arg3[%dma_start3A_659] : memref<16777216xf32, #tpu.memory_space<hbm>> -> memref<16777216xf32, #tpu.memory_space<hbm>>
    tpu.enqueue_indirect_dma source(%arg6 : memref<128xf32, #tpu.memory_space<vmem>>) target(%dma_start3A_660 : memref<16777216xf32, #tpu.memory_space<hbm>>) offsets(%arg7 : memref<128xi32, #tpu.memory_space<vmem>>) semaphore(%arg12 : memref<!tpu.dma_semaphore, #tpu.memory_space<semaphore_mem>>)
    %dma_start3A_661 = arith.constant 0 : i32
    %dma_start3A_662 = tpu.memref_slice %arg3[%dma_start3A_661] : memref<16777216xf32, #tpu.memory_space<hbm>> -> memref<16777216xf32, #tpu.memory_space<hbm>>
    tpu.enqueue_indirect_dma source(%arg6 : memref<128xf32, #tpu.memory_space<vmem>>) target(%dma_start3A_662 : memref<16777216xf32, #tpu.memory_space<hbm>>) offsets(%arg8 : memref<128xi32, #tpu.memory_space<vmem>>) semaphore(%arg12 : memref<!tpu.dma_semaphore, #tpu.memory_space<semaphore_mem>>)
    %dma_start3A_663 = arith.constant 0 : i32
    %dma_start3A_664 = tpu.memref_slice %arg3[%dma_start3A_663] : memref<16777216xf32, #tpu.memory_space<hbm>> -> memref<16777216xf32, #tpu.memory_space<hbm>>
    tpu.enqueue_indirect_dma source(%arg6 : memref<128xf32, #tpu.memory_space<vmem>>) target(%dma_start3A_664 : memref<16777216xf32, #tpu.memory_space<hbm>>) offsets(%arg9 : memref<128xi32, #tpu.memory_space<vmem>>) semaphore(%arg12 : memref<!tpu.dma_semaphore, #tpu.memory_space<semaphore_mem>>)
    %dma_start3A_665 = arith.constant 0 : i32
    %dma_start3A_666 = tpu.memref_slice %arg3[%dma_start3A_665] : memref<16777216xf32, #tpu.memory_space<hbm>> -> memref<16777216xf32, #tpu.memory_space<hbm>>
    tpu.enqueue_indirect_dma source(%arg6 : memref<128xf32, #tpu.memory_space<vmem>>) target(%dma_start3A_666 : memref<16777216xf32, #tpu.memory_space<hbm>>) offsets(%arg10 : memref<128xi32, #tpu.memory_space<vmem>>) semaphore(%arg12 : memref<!tpu.dma_semaphore, #tpu.memory_space<semaphore_mem>>)
    %dma_wait3A_667 = arith.constant 0 : i32
    %dma_wait3A_668 = tpu.memref_slice %arg3[%dma_wait3A_667] : memref<16777216xf32, #tpu.memory_space<hbm>> -> memref<16777216xf32, #tpu.memory_space<hbm>>
    tpu.wait_indirect_dma semaphore(%arg12 : memref<!tpu.dma_semaphore, #tpu.memory_space<semaphore_mem>>) src(%arg6 : memref<128xf32, #tpu.memory_space<vmem>>) dst(%dma_wait3A_668 : memref<16777216xf32, #tpu.memory_space<hbm>>)
    %dma_wait3A_669 = arith.constant 0 : i32
    %dma_wait3A_670 = tpu.memref_slice %arg3[%dma_wait3A_669] : memref<16777216xf32, #tpu.memory_space<hbm>> -> memref<16777216xf32, #tpu.memory_space<hbm>>
    tpu.wait_indirect_dma semaphore(%arg12 : memref<!tpu.dma_semaphore, #tpu.memory_space<semaphore_mem>>) src(%arg6 : memref<128xf32, #tpu.memory_space<vmem>>) dst(%dma_wait3A_670 : memref<16777216xf32, #tpu.memory_space<hbm>>)
    %dma_wait3A_671 = arith.constant 0 : i32
    %dma_wait3A_672 = tpu.memref_slice %arg3[%dma_wait3A_671] : memref<16777216xf32, #tpu.memory_space<hbm>> -> memref<16777216xf32, #tpu.memory_space<hbm>>
    tpu.wait_indirect_dma semaphore(%arg12 : memref<!tpu.dma_semaphore, #tpu.memory_space<semaphore_mem>>) src(%arg6 : memref<128xf32, #tpu.memory_space<vmem>>) dst(%dma_wait3A_672 : memref<16777216xf32, #tpu.memory_space<hbm>>)
    %dma_wait3A_673 = arith.constant 0 : i32
    %dma_wait3A_674 = tpu.memref_slice %arg3[%dma_wait3A_673] : memref<16777216xf32, #tpu.memory_space<hbm>> -> memref<16777216xf32, #tpu.memory_space<hbm>>
    tpu.wait_indirect_dma semaphore(%arg12 : memref<!tpu.dma_semaphore, #tpu.memory_space<semaphore_mem>>) src(%arg6 : memref<128xf32, #tpu.memory_space<vmem>>) dst(%dma_wait3A_674 : memref<16777216xf32, #tpu.memory_space<hbm>>)
    return
  }
}

module attributes {stable_mosaic.version = 14 : i64} {
  func.func @_vq_tc_kernel(%arg0: i32, %arg1: memref<2048x256xf32, #tpu.memory_space<vmem>>, %arg2: memref<2048x1xf32, #tpu.memory_space<vmem>>, %arg3: memref<1x1024xf32, #tpu.memory_space<vmem>>, %arg4: memref<1024x256xf32, #tpu.memory_space<vmem>>, %arg5: memref<2048x1xi32, #tpu.memory_space<vmem>>, %arg6: memref<2048x256xf32, #tpu.memory_space<vmem>>, %arg7: memref<1x1x1024xf32, #tpu.memory_space<vmem>>, %arg8: memref<1x1x1xf32, #tpu.memory_space<vmem>>) attributes {dimension_semantics = [#tpu.dimension_semantics<parallel>], iteration_bounds = array<i64: 8>, scalar_prefetch = 0 : i64, scratch_operands = 0 : i64, tpu.core_type = #tpu.core_type<tc>, window_params = [{transform_indices = @transform_0, window_bounds = array<i64: 2048, 256>}, {transform_indices = @transform_1, window_bounds = array<i64: 2048, 1>}, {pipeline_mode = #tpu.pipeline_mode<synchronous>, transform_indices = @transform_2, window_bounds = array<i64: 1, 1024>}, {pipeline_mode = #tpu.pipeline_mode<synchronous>, transform_indices = @transform_3, window_bounds = array<i64: 1024, 256>}, {transform_indices = @transform_4, window_bounds = array<i64: 2048, 1>}, {transform_indices = @transform_5, window_bounds = array<i64: 2048, 256>}, {transform_indices = @transform_6, window_bounds = array<i64: 1, 1, 1024>}, {transform_indices = @transform_7, window_bounds = array<i64: 1, 1, 1>}]} {
    %get3A = arith.constant 0 : index
    %get3A_0 = arith.constant 0 : index
    %get3A_1 = vector.load %arg1[%get3A, %get3A_0] : memref<2048x256xf32, #tpu.memory_space<vmem>>, vector<2048x256xf32>
    %get3A_2 = arith.constant 0 : index
    %get3A_3 = arith.constant 0 : index
    %get3A_4 = vector.load %arg4[%get3A_2, %get3A_3] : memref<1024x256xf32, #tpu.memory_space<vmem>>, vector<1024x256xf32>
    %dot_general3A = arith.constant dense<0.000000e+00> : vector<2048x1024xf32>
    %dot_general3A_5 = tpu.matmul %get3A_1, %get3A_4, %dot_general3A {dimension_numbers = #tpu.dot_dimension_numbers<[1], [1], [0], [0], [0, 0, 1, 0], [], []>, transpose_lhs_hint = false} : vector<2048x256xf32>, vector<1024x256xf32>, vector<2048x1024xf32> -> vector<2048x1024xf32>
    %get3A_6 = arith.constant 0 : index
    %get3A_7 = arith.constant 0 : index
    %get3A_8 = vector.load %arg2[%get3A_6, %get3A_7] : memref<2048x1xf32, #tpu.memory_space<vmem>>, vector<2048x1xf32>
    %get3A_9 = arith.constant 0 : index
    %get3A_10 = arith.constant 0 : index
    %get3A_11 = vector.load %arg3[%get3A_9, %get3A_10] : memref<1x1024xf32, #tpu.memory_space<vmem>>, vector<1x1024xf32>
    %add3A = vector.broadcast %get3A_8 : vector<2048x1xf32> to vector<2048x1024xf32>
    %add3A_12 = vector.broadcast %get3A_11 : vector<1x1024xf32> to vector<2048x1024xf32>
    %add3A_13 = arith.addf %add3A, %add3A_12 : vector<2048x1024xf32>
    %mul3A = arith.constant 2.000000e+00 : f32
    %mul3A_14 = vector.broadcast %mul3A : f32 to vector<2048x1024xf32>
    %mul3A_15 = arith.mulf %mul3A_14, %dot_general3A_5 : vector<2048x1024xf32>
    %sub3A = arith.subf %add3A_13, %mul3A_15 : vector<2048x1024xf32>
    %reduce_min3A = arith.constant dense<0x7F800000> : vector<2048xf32>
    %reduce_min3A_16 = vector.multi_reduction <minimumf>, %sub3A, %reduce_min3A [1] : vector<2048x1024xf32> to vector<2048xf32>
    %broadcast_in_dim3A = vector.shape_cast %reduce_min3A_16 : vector<2048xf32> to vector<2048x1xf32>
    %iota3A = tpu.iota {dimensions = array<i32: 1>} : vector<2048x1024xi32>
    %eq3A = vector.broadcast %broadcast_in_dim3A : vector<2048x1xf32> to vector<2048x1024xf32>
    %eq3A_17 = arith.cmpf oeq, %sub3A, %eq3A : vector<2048x1024xf32>
    %jit3A = arith.constant 1024 : i32
    %broadcast_in_dim3A_18 = vector.broadcast %jit3A : i32 to vector<2048x1024xi32>
    %select_n3A = arith.select %eq3A_17, %iota3A, %broadcast_in_dim3A_18 : vector<2048x1024xi1>, vector<2048x1024xi32>
    %reduce_min3A_19 = arith.constant dense<2147483647> : vector<2048xi32>
    %reduce_min3A_20 = vector.multi_reduction <minsi>, %select_n3A, %reduce_min3A_19 [1] : vector<2048x1024xi32> to vector<2048xi32>
    %broadcast_in_dim3A_21 = vector.shape_cast %reduce_min3A_20 : vector<2048xi32> to vector<2048x1xi32>
    %swap3A = arith.constant 0 : index
    %swap3A_22 = arith.constant 0 : index
    %swap3A_23 = vector.load %arg5[%swap3A, %swap3A_22] : memref<2048x1xi32, #tpu.memory_space<vmem>>, vector<2048x1xi32>
    tpu.vector_store %arg5[%swap3A, %swap3A_22], %broadcast_in_dim3A_21 {strides = array<i32>} : memref<2048x1xi32, #tpu.memory_space<vmem>>, vector<2048x1xi32>,
    %eq3A_24 = vector.broadcast %broadcast_in_dim3A_21 : vector<2048x1xi32> to vector<2048x1024xi32>
    %eq3A_25 = arith.cmpi eq, %iota3A, %eq3A_24 : vector<2048x1024xi32>
    %convert_element_type3A = arith.extui %eq3A_25 : vector<2048x1024xi1> to vector<2048x1024xi32>
    %convert_element_type3A_26 = arith.sitofp %convert_element_type3A : vector<2048x1024xi32> to vector<2048x1024xf32>
    %dot_general3A_27 = arith.constant dense<0.000000e+00> : vector<2048x256xf32>
    %dot_general3A_28 = tpu.matmul %convert_element_type3A_26, %get3A_4, %dot_general3A_27 {dimension_numbers = #tpu.dot_dimension_numbers<[1], [0], [0], [1], [0, 0, 1, 1], [], []>, transpose_lhs_hint = false} : vector<2048x1024xf32>, vector<1024x256xf32>, vector<2048x256xf32> -> vector<2048x256xf32>
    %sub3A_29 = arith.subf %dot_general3A_28, %get3A_1 : vector<2048x256xf32>
    %add3A_30 = arith.addf %get3A_1, %sub3A_29 : vector<2048x256xf32>
    %swap3A_31 = arith.constant 0 : index
    %swap3A_32 = arith.constant 0 : index
    %swap3A_33 = vector.load %arg6[%swap3A_31, %swap3A_32] : memref<2048x256xf32, #tpu.memory_space<vmem>>, vector<2048x256xf32>
    tpu.vector_store %arg6[%swap3A_31, %swap3A_32], %add3A_30 {strides = array<i32>} : memref<2048x256xf32, #tpu.memory_space<vmem>>, vector<2048x256xf32>,
    %broadcast_in_dim3A_34 = arith.constant 1.000000e+00 : f32
    %broadcast_in_dim3A_35 = vector.broadcast %broadcast_in_dim3A_34 : f32 to vector<1x2048xf32>
    %dot_general3A_36 = arith.constant dense<0.000000e+00> : vector<1x1024xf32>
    %dot_general3A_37 = tpu.matmul %broadcast_in_dim3A_35, %convert_element_type3A_26, %dot_general3A_36 {dimension_numbers = #tpu.dot_dimension_numbers<[1], [0], [0], [1], [0, 0, 1, 1], [], []>, transpose_lhs_hint = false} : vector<1x2048xf32>, vector<2048x1024xf32>, vector<1x1024xf32> -> vector<1x1024xf32>
    %reshape3A = vector.shape_cast %dot_general3A_37 : vector<1x1024xf32> to vector<1x1x1024xf32>
    %swap3A_38 = arith.constant 0 : index
    %swap3A_39 = arith.constant 0 : index
    %swap3A_40 = arith.constant 0 : index
    %swap3A_41 = vector.load %arg7[%swap3A_38, %swap3A_39, %swap3A_40] : memref<1x1x1024xf32, #tpu.memory_space<vmem>>, vector<1x1x1024xf32>
    tpu.vector_store %arg7[%swap3A_38, %swap3A_39, %swap3A_40], %reshape3A {strides = array<i32>} : memref<1x1x1024xf32, #tpu.memory_space<vmem>>, vector<1x1x1024xf32>,
    %reduce_sum3A = vector.shape_cast %broadcast_in_dim3A : vector<2048x1xf32> to vector<1x2048x1xf32>
    %reduce_sum3A_42 = arith.constant dense<0.000000e+00> : vector<1xf32>
    %reduce_sum3A_43 = vector.multi_reduction <add>, %reduce_sum3A, %reduce_sum3A_42 [1, 2] : vector<1x2048x1xf32> to vector<1xf32>
    %reduce_sum3A_44 = vector.shape_cast %reduce_sum3A_43 : vector<1xf32> to vector<1x1x1xf32>
    %reduce_sum3A_45 = vector.extract %reduce_sum3A_44[0, 0, 0] : f32 from vector<1x1x1xf32>
    %reshape3A_46 = vector.broadcast %reduce_sum3A_45 : f32 to vector<1x1x1xf32>
    %swap3A_47 = arith.constant 0 : index
    %swap3A_48 = arith.constant 0 : index
    %swap3A_49 = arith.constant 0 : index
    %swap3A_50 = vector.load %arg8[%swap3A_47, %swap3A_48, %swap3A_49] : memref<1x1x1xf32, #tpu.memory_space<vmem>>, vector<1x1x1xf32>
    tpu.vector_store %arg8[%swap3A_47, %swap3A_48, %swap3A_49], %reshape3A_46 {strides = array<i32>} : memref<1x1x1xf32, #tpu.memory_space<vmem>>, vector<1x1x1xf32>,
    return
  }
  func.func @transform_0(%arg0: i32) -> (i32, i32) {
    %c0_i32 = arith.constant 0 : i32
    %c0_i32_0 = arith.constant 0 : i32
    return %arg0, %c0_i32 : i32, i32
  }
  func.func @transform_1(%arg0: i32) -> (i32, i32) {
    %c0_i32 = arith.constant 0 : i32
    %c0_i32_0 = arith.constant 0 : i32
    return %arg0, %c0_i32 : i32, i32
  }
  func.func @transform_2(%arg0: i32) -> (i32, i32) {
    %c0_i32 = arith.constant 0 : i32
    %c0_i32_0 = arith.constant 0 : i32
    %c0_i32_1 = arith.constant 0 : i32
    return %c0_i32, %c0_i32_0 : i32, i32
  }
  func.func @transform_3(%arg0: i32) -> (i32, i32) {
    %c0_i32 = arith.constant 0 : i32
    %c0_i32_0 = arith.constant 0 : i32
    %c0_i32_1 = arith.constant 0 : i32
    return %c0_i32, %c0_i32_0 : i32, i32
  }
  func.func @transform_4(%arg0: i32) -> (i32, i32) {
    %c0_i32 = arith.constant 0 : i32
    %c0_i32_0 = arith.constant 0 : i32
    return %arg0, %c0_i32 : i32, i32
  }
  func.func @transform_5(%arg0: i32) -> (i32, i32) {
    %c0_i32 = arith.constant 0 : i32
    %c0_i32_0 = arith.constant 0 : i32
    return %arg0, %c0_i32 : i32, i32
  }
  func.func @transform_6(%arg0: i32) -> (i32, i32, i32) {
    %c0_i32 = arith.constant 0 : i32
    %c0_i32_0 = arith.constant 0 : i32
    %c0_i32_1 = arith.constant 0 : i32
    return %arg0, %c0_i32, %c0_i32_0 : i32, i32, i32
  }
  func.func @transform_7(%arg0: i32) -> (i32, i32, i32) {
    %c0_i32 = arith.constant 0 : i32
    %c0_i32_0 = arith.constant 0 : i32
    %c0_i32_1 = arith.constant 0 : i32
    return %arg0, %c0_i32, %c0_i32_0 : i32, i32, i32
  }
}

</mosaic_0001>

<sc_bundles>
// kernel: kernel.4.cloned.1.call-start
scs
__scs_entry_jumppad:
0x0: {  	(pc) =	sbr.rel $0x88, $3  }
0x1: {  	(tag) =	ssettag $0x0;
	lr =	simm.s32 $0x1  }
0x2: {  	[smem:$0x3F9F] =	sst lr;
	_ =	strace $0xD0000000  }
0x3: {  	_ = 	snop  }
0x4: {  	_ = 	snop  }
0x5: {  	_ = 	snop  }
0x6: {  	_ = 	snop  }
0x7: {  	_ = 	snop  }
__scs_overlays_trampoline_lowered:
0x8: {  	[smem:$0x3FAE] =	sst s0  }
0x9: {  	[smem:$0x3FAF] =	sst s1  }
0xa: {  	[smem:$0x3FB0] =	sst s2  }
0xb: {  	[smem:$0x3FB1] =	sst s3  }
0xc: {  	[smem:$0x3FB2] =	sst s4  }
0xd: {  	[smem:$0x3FB3] =	sst s5  }
0xe: {  	[smem:$0x3FB4] =	sst s6  }
0xf: {  	[smem:$0x3FB5] =	sst s7  }
0x10: {  	[smem:$0x3FB6] =	sst s8  }
0x11: {  	[smem:$0x3FB7] =	sst s9;
	s0 =	simm.s32 @!p0 $0x0  }
0x12: {  	s1 =	sld [smem:$0x3F9D];
	s0 =	simm.s32 @p0 $0x1  }
0x13: {  	[smem:$0x3FB8] =	sst s0;
	s0 =	simm.s32 @!p1 $0x0  }
0x14: {  	s2 =	sld [smem:$0x3F9C];
	s0 =	simm.s32 @p1 $0x1  }
0x15: {  	[smem:$0x3FB9] =	sst s0;
	s0 =	simm.s32 @!p2 $0x0  }
0x16: {  	s3 =	sld [smem:$0x3FDB];
	s0 =	simm.s32 @p2 $0x1  }
0x17: {  	s4 =	simm.s32 $0x1BF5;
	[smem:$0x3FBB] =	sst s0  }
0x18: {  	s0 =	sld [smem:$0x3F9E];
	_ =	swait.ge [sflag:s4], $0x0  }
0x19: {  	s7 =	sld [smem:$0x3F9F]  }
0x1a: {  	s8 =	sadd.s32 $0xFFFFE003, lr  }
0x1b: {  	s9 =	sadd.s32 $0xFFFFFEF7, lr;
	s5 =	simm.s32 $0xFFFFFFFF;
	p2 =	slt.u32 s8, $0xFFFFF086  }
0x1c: {  	p1 =	slt.u32 s9, $0xF7A;
	s5 =	simm.s32 @!p2 $0x0  }
0x1d: {  	s5 =	simm.s32 @p1 $0x1;
	p0 =	seq.s32 s7, s2  }
0x1e: {  	s7 =	smul.u32 @!p0 $0xF7A, s2;
	p2 =	seq.s32 @!p0 s5, $0x0  }
0x1f: {  	s9 =	smul.u32 $0xF7A, s1;
	s8 =	simm.s32 @!p0 $0x1BF5;
	p2 =	por !p2, p0  }
0x20: {  	[sflag:s8] =	ssyncset.s32 @!p0 $0xFFFFF086;
	s6 =	sadd.s32 @!p0 s3, s7;
	s7 =	simm.s32 @!p0 $0x108  }
0x21: {  	s3 =	sadd.s32 s3, s9;
	s6 =	sadd.s32 @!p0 $0x88, s6;
	s7 =	simm.s32 @p2 $0x1082  }
0x22: {  	[simem:s7], [sflag:s8] =	dma.local @!p0 [hbm:s6], $0xF7A  }
0x23: {  	s9 =	sor.u32 $0xD0000000, s2;
	s6 =	simm.s32 $0x108;
	_ =	swait.ge @!p0 [sflag:s8], $0x0  }
0x24: {  	s3 =	sadd.s32 $0x88, s3;
	s6 =	simm.s32 @!p1 $0x1082;
	[sflag:s4] =	ssyncset.s32 $0xFFFFF086  }
0x25: {  	[simem:s6], [sflag:s4] =	dma.local [hbm:s3], $0xF7A  }
0x26: {  	[smem:$0x3F9F] =	sst s1;
	(tag) =	ssettag s2;
	_ =	strace s9  }
0x27: {  	s1 =	sld [smem:$0x3FAF]  }
0x28: {  	s2 =	sld [smem:$0x3FB0]  }
0x29: {  	s4 =	sld [smem:$0x3FB2]  }
0x2a: {  	p0 =	seq.s32 s5, $0x0;
	s5 =	sld [smem:$0x3FB3]  }
0x2b: {  	s6 =	sld [smem:$0x3FB4]  }
0x2c: {  	s7 =	sld [smem:$0x3FB5]  }
0x2d: {  	s3 =	simm.s32 $0x108;
	s8 =	sld [smem:$0x3FB6]  }
0x2e: {  	s3 =	simm.s32 @!p0 $0x1082;
	s9 =	sld [smem:$0x3FB7]  }
0x2f: {  	lr =	sadd.s32 s0, s3;
	s0 =	sld [smem:$0x3FAE]  }
0x30: {  	s3 =	sld [smem:$0x3FB1]  }
0x31: {  	[smem:$0x3FBA] =	sst s10  }
0x32: {  	s10 =	sld [smem:$0x3FB8];
	_ =	sdelay $0x3  }
0x33: {  	p0 =	seq.s32 s10, $0x1;
	s10 =	sld [smem:$0x3FBA];
	_ =	sdelay $0x3  }
0x34: {  	[smem:$0x3FBA] =	sst s10  }
0x35: {  	s10 =	sld [smem:$0x3FB9];
	_ =	sdelay $0x3  }
0x36: {  	p1 =	seq.s32 s10, $0x1;
	s10 =	sld [smem:$0x3FBA];
	_ =	sdelay $0x3  }
0x37: {  	[smem:$0x3FBA] =	sst s10  }
0x38: {  	s10 =	sld [smem:$0x3FBB]  }
0x39: {  	_ = 	snop;
	(pc) =	sbr.ind lr, $3  }
0x3a: {  	_ = 	snop  }
0x3b: {  	_ = 	snop  }
0x3c: {  	p2 =	seq.s32 s10, $0x1;
	s10 =	sld [smem:$0x3FBA]  }
0x3d: {  	_ =	shalt  }
0x3e: {  	_ =	shalt  }
0x3f: {  	_ =	shalt  }
0x40: {  	_ =	shalt  }
0x41: {  	_ =	shalt  }
0x42: {  	_ =	shalt  }
0x43: {  	_ =	shalt  }
0x44: {  	_ =	shalt  }
0x45: {  	_ =	shalt  }
0x46: {  	_ =	shalt  }
0x47: {  	_ =	shalt  }
0x48: {  	_ =	shalt  }
0x49: {  	_ =	shalt  }
0x4a: {  	_ =	shalt  }
0x4b: {  	_ =	shalt  }
0x4c: {  	_ =	shalt  }
0x4d: {  	_ =	shalt  }
0x4e: {  	_ =	shalt  }
0x4f: {  	_ =	shalt  }
0x50: {  	_ =	shalt  }
0x51: {  	_ =	shalt  }
0x52: {  	_ =	shalt  }
0x53: {  	_ =	shalt  }
0x54: {  	_ =	shalt  }
0x55: {  	_ =	shalt  }
0x56: {  	_ =	shalt  }
0x57: {  	_ =	shalt  }
0x58: {  	_ =	shalt  }
0x59: {  	_ =	shalt  }
0x5a: {  	_ =	shalt  }
0x5b: {  	_ =	shalt  }
0x5c: {  	_ =	shalt  }
0x5d: {  	_ =	shalt  }
0x5e: {  	_ =	shalt  }
0x5f: {  	_ =	shalt  }
0x60: {  	_ =	shalt  }
0x61: {  	_ =	shalt  }
0x62: {  	_ =	shalt  }
0x63: {  	_ =	shalt  }
0x64: {  	_ =	shalt  }
0x65: {  	_ =	shalt  }
0x66: {  	_ =	shalt  }
0x67: {  	_ =	shalt  }
0x68: {  	_ =	shalt  }
0x69: {  	_ =	shalt  }
0x6a: {  	_ =	shalt  }
0x6b: {  	_ =	shalt  }
0x6c: {  	_ =	shalt  }
0x6d: {  	_ =	shalt  }
0x6e: {  	_ =	shalt  }
0x6f: {  	_ =	shalt  }
0x70: {  	_ =	shalt  }
0x71: {  	_ =	shalt  }
0x72: {  	_ =	shalt  }
0x73: {  	_ =	shalt  }
0x74: {  	_ =	shalt  }
0x75: {  	_ =	shalt  }
0x76: {  	_ =	shalt  }
0x77: {  	_ =	shalt  }
0x78: {  	_ =	shalt  }
0x79: {  	_ =	shalt  }
0x7a: {  	_ =	shalt  }
0x7b: {  	_ =	shalt  }
0x7c: {  	_ =	shalt  }
0x7d: {  	_ =	shalt  }
0x7e: {  	_ =	shalt  }
0x7f: {  	_ =	shalt  }
0x80: {  	_ =	shalt  }
0x81: {  	_ =	shalt  }
0x82: {  	_ =	shalt  }
0x83: {  	_ =	shalt  }
0x84: {  	_ =	shalt  }
0x85: {  	_ =	shalt  }
0x86: {  	_ =	shalt  }
0x87: {  	_ =	shalt  }
.Lfunc_end0:
.L_simem_size_0:
called_computation_lowered:
.L_overlay_start_0:
0x88: {  	s2 =	sld [smem:$0x3FD9]  }
0x89: {  	s3 =	sld [smem:$0x3FFE];
	_ =	sdelay $0x1  }
0x8a: {  	s1 =	srdreg.scid  }
0x8b: {  	s0 =	sand.u32 $0x1, s1  }
0x8c: {  	s14 =	sshll.u32 s0, $0xA;
	s2 =	sadd.s32 s3, s2  }
0x8d: {  	s2 =	sadd.s32 s2, s14  }
0x8e: {  	[smem:$0x3FC6] =	sst s2  }
0x8f: {  	_ = 	snop  }
0x90: {  	s2 =	sld [smem:$0x3FD0];
	_ =	sdelay $0x2  }
0x91: {  	s15 =	simm.s32 $0xA;
	s4 =	simm.s32 $0x10  }
0x92: {  	[smem:s4], [sflag:s15] =	dma.local [hbm:s2], $0x1  }
0x93: {  	_ =	swait.eq [sflag:s15], $0x1  }
0x94: {  	[sflag:s15] =	ssyncset.done $0x0  }
0x95: {  	[sflag:s15] =	ssyncadd.s32 $0xFFFFFFFF  }
0x96: {  	s16 =	sld [smem:$0x13];
	(tm) =	ssettm $0x1  }
0x97: {  	s17 =	sld [smem:$0x3FFB];
	_ =	sdelay $0x3  }
0x98: {  	_ =	strace s17  }
0x99: {  	s3 =	sld [smem:$0x3FFC];
	_ =	sdelay $0x3  }
0x9a: {  	_ =	strace s3  }
0x9b: {  	s3 =	sld [smem:$0x3FFD];
	_ =	sdelay $0x3  }
0x9c: {  	_ =	strace s3  }
0x9d: {  	_ =	strace $0x8FFFFFFF  }
0x9e: {  	s18 =	sld [smem:$0x3FDB];
	_ =	sdelay $0x1  }
0x9f: {  	s19 =	simm.s32 $_scs_section_size  }
0xa0: {  	s5 =	simm.s32 $_size__tile_overlayer_lowered;
	s6 =	simm.s32 $_tile_overlayer_lowered  }
0xa1: {  	s22 =	simm.s32 $0x1BFF;
	s21 =	sshll.u32 s6, $0x1;
	s3 =	sadd.s32 s19, s18  }
0xa2: {  	s7 =	simm.s32 $0x0;
	s20 =	sshll.u32 s5, $0x1;
	s5 =	sadd.s32 s21, s3  }
0xa3: {  	[timem:s7], [sflag:s22] =	dma.local [hbm:s5], s20  }
0xa4: {  	_ =	swait.ge [sflag:s22], s20  }
0xa5: {  	s4 =	ssub.s32 $0x0, s20;
	[sflag:s22] =	ssyncset.done $0x0  }
0xa6: {  	[sflag:s22] =	ssyncadd.s32 s4;
	_ =	sdelay $0x1  }
0xa7: {  	s23 =	simm.s32 $0x1B8B  }
0xa8: {  	_ =	swait.ge [sflag:s23], $0x1  }
0xa9: {  	[sflag:s23] =	ssyncset.done $0x0  }
0xaa: {  	s25 =	simm.s32 $0x1B8E;
	s24 =	sld [smem:$0x3FFE];
	[sflag:s23] =	ssyncadd.s32 $0xFFFFFFFF  }
0xab: {  	s26 =	simm.s32 $execute0_lowered;
	[smem:$0x3FD2] =	sst s25  }
0xac: {  	s5 =	sshll.u32 s26, $0x1;
	_ =	strace $0x80000046;
	[dreg:$0x1] =	wrdreg $0xFFFFFFFF  }
0xad: {  	s28 =	simm.s32 $_size_execute0_lowered;
	s3 =	sadd.s32 s3, s5;
	[dreg:$0x0] =	wrdreg $0x0  }
0xae: {  	s5 =	sshll.u32 s28, $0x1;
	[dreg:$0x2] =	wrdreg s3  }
0xaf: {  	[dreg:$0x3] =	wrdreg s5  }
0xb0: {  	[dreg:$0x4] =	wrdreg $0xC0  }
0xb1: {  	_ =	task [dreg:s7], $0x5FFFF  }
0xb2: {  	[dreg:$0x1] =	wrdreg $0xFFFFFFFF  }
0xb3: {  	[dreg:$0x0] =	wrdreg $0x60  }
0xb4: {  	[dreg:$0x2] =	wrdreg s16  }
0xb5: {  	[dreg:$0x3] =	wrdreg s24  }
0xb6: {  	[dreg:$0x4] =	wrdreg $0x9  }
0xb7: {  	_ =	task.clear_ibuf [dreg:s7], $0x5FFFF;
	_ =	strace $0x90000046  }
0xb8: {  	s29 =	simm.s32 $0x9;
	_ =	strace $0x80000048  }
0xb9: {  	_ =	swait.ge [sflag:s29], $0x1  }
0xba: {  	[sflag:s29] =	ssyncadd.s32 $0xFFFFFFFF  }
0xbb: {  	_ =	strace $0x90000048  }
0xbc: {  	_ =	sfence  }
0xbd: {  	s30 =	sld [smem:$0x0];
	_ =	sdelay $0x2  }
0xbe: {  	s31 =	sshll.u32 s1, $0xD;
	s1 =	sshrl.u32 s1, $0x2  }
0xbf: {  	s3 =	sand.u32 $0x4000, s31;
	s1 =	sadd.s32 s1, s30  }
0xc0: {  	s0 =	sor.u32 s3, s0;
	s1 =	sshll.u32 s1, $0x11  }
0xc1: {  	s0 =	sor.u32 s1, s0  }
0xc2: {  	s0 =	sadd.s32 $0x8F2B, s0  }
0xc3: {  	[sflag:s0] =	ssyncadd.remote.s32 $0x1  }
0xc4: {  	_ =	sfence.sel $0xFFFF  }
0xc5: {  	[dreg:$0x0] =	wrdreg $0xFFFFFFFF;
	(pc) =	sbr.abs _section_cstart, $3  }
0xc6: {  	[dreg:$0x1] =	wrdreg $0xFFFFFFFF  }
0xc7: {  	_ =	task.clear_ibuf [dreg:s7], $0x2FFFF;
	_ =	strace $0x9FFFFFFF  }
0xc8: {  	(tm) =	ssettm $0x7FFFFFFF  }
0xc9: {  	_ =	shalt  }
tec
execute0_lowered:
.L_overlay_start_1:
0x0: {  	(tag) =	ssettag $0x1  }
0x1: {  	s0 =	srdreg.scid;
	s1 =	stileid.u32  }
0x2: {  	s0 =	sand.u32 $0x1, s0;
	s1 =	sshll.u32 s1, $0x1  }
0x3: {  	s5 =	sor.u32 s0, s1  }
0x4: {  	s4 =	rddreg [dreg:$0x0];
	s0 =	ssub.s32 $0x2, s0;
	s1 =	sshll.u32 s5, $0x9  }
0x5: {  	v0 =	vlaneseq.u32;
	s12 =	sshrl.u32 s0, $0x1;
	s13 =	sshll.u32 s5, $0x6;
	s2 =	sor.u32 $0x10, s1  }
0x6: {  	v33 =	vimm.f32 $1.000000000e+00;
	v31 =	vmul.u32 $0x400, v0;
	v1 =	vmov s1;
	s6 =	sor.u32 $0x20, s1;
	s21 =	sor.u32 $0x30, s1;
	s7 =	sor.u32 $0x40, s1  }
0x7: {  	s22 =	sor.u32 $0x50, s1;
	s8 =	sor.u32 $0x60, s1;
	s10 =	sor.u32 $0x70, s1;
	v0 =	vshll.u32 v1, $0xA;
	v1 =	vmov s2;
	v2 =	vmov s6  }
0x8: {  	s9 =	sor.u32 $0x80, s1;
	s23 =	sor.u32 $0x90, s1;
	s11 =	sor.u32 $0xB0, s1;
	v3 =	vmov s21;
	v4 =	vmov s7;
	v5 =	vmov s22  }
0x9: {  	s0 =	ssub.s32 s0, s12;
	s4 =	sadd.s32 s4, s13;
	s24 =	sor.u32 $0xD0, s1;
	v6 =	vmov s8;
	v7 =	vmov s10;
	v8 =	vmov s9  }
0xa: {  	s12 =	sor.u32 $0xE0, s1;
	s14 =	sor.u32 $0xF0, s1;
	s13 =	sor.u32 $0x100, s1;
	v9 =	vmov s23;
	v11 =	vmov s11;
	v13 =	vmov s24  }
0xb: {  	s16 =	sor.u32 $0x110, s1;
	s25 =	sor.u32 $0x130, s1;
	s19 =	sor.u32 $0x150, s1;
	v14 =	vmov s12;
	v15 =	vmov s14;
	v16 =	vmov s13  }
0xc: {  	s17 =	sor.u32 $0x120, s1;
	s15 =	sor.u32 $0x140, s1;
	s20 =	sor.u32 $0x160, s1;
	v17 =	vmov s16;
	v19 =	vmov s25;
	v21 =	vmov s19  }
0xd: {  	s26 =	sor.u32 $0x190, s1;
	s18 =	sor.u32 $0x1A0, s1;
	s29 =	sor.u32 $0x1C0, s1;
	v18 =	vmov s17;
	v20 =	vmov s15;
	v22 =	vmov s20  }
0xe: {  	v25 =	vmov s26;
	v26 =	vmov s18;
	v28 =	vmov s29  }
0xf: {  	v0 =	vor.u32 v31, v0;
	v1 =	vshll.u32 v1, $0xA;
	v2 =	vshll.u32 v2, $0xA  }
0x10: {  	v3 =	vshll.u32 v3, $0xA;
	v4 =	vshll.u32 v4, $0xA;
	v5 =	vshll.u32 v5, $0xA  }
0x11: {  	s10 =	sor.u32 $0xA0, s1;
	v6 =	vshll.u32 v6, $0xA;
	v7 =	vshll.u32 v7, $0xA;
	v8 =	vshll.u32 v8, $0xA  }
0x12: {  	s11 =	sor.u32 $0xC0, s1;
	v9 =	vshll.u32 v9, $0xA;
	v10 =	vmov s10;
	v11 =	vshll.u32 v11, $0xA  }
0x13: {  	v12 =	vmov s11;
	v13 =	vshll.u32 v13, $0xA;
	v14 =	vshll.u32 v14, $0xA  }
0x14: {  	s22 =	sor.u32 $0x170, s1;
	v15 =	vshll.u32 v15, $0xA;
	v16 =	vshll.u32 v16, $0xA;
	v17 =	vshll.u32 v17, $0xA  }
0x15: {  	v23 =	vmov s22;
	v18 =	vshll.u32 v18, $0xA;
	v19 =	vshll.u32 v19, $0xA  }
0x16: {  	s3 =	simm.s32 $0x0;
	s23 =	sor.u32 $0x180, s1;
	s24 =	sor.u32 $0x1B0, s1;
	v20 =	vshll.u32 v20, $0xA;
	v21 =	vshll.u32 v21, $0xA;
	v22 =	vshll.u32 v22, $0xA  }
0x17: {  	s28 =	simm.s32 $0x8200;
	s30 =	simm.s32 $0x8380;
	s21 =	sor.u32 $0x1D0, s1;
	v24 =	vmov s23;
	v25 =	vshll.u32 v25, $0xA;
	v27 =	vmov s24  }
0x18: {  	s31 =	simm.s32 $0x8400;
	[smem:$0x7FF] =	sst s3;
	s5 =	sshll.u32 s5, $0x10;
	v26 =	vshll.u32 v26, $0xA;
	v28 =	vshll.u32 v28, $0xA;
	v29 =	vmov s21  }
0x19: {  	s2 =	rddreg [dreg:$0x1];
	_ =	strace $0x80000047;
	s6 =	sshll.u32 s6, $0x7;
	v1 =	vor.u32 v31, v1;
	v2 =	vor.u32 v31, v2;
	v3 =	vor.u32 v31, v3  }
0x1a: {  	s7 =	sshll.u32 s7, $0x7;
	s8 =	sshll.u32 s8, $0x7;
	s9 =	sshll.u32 s9, $0x7;
	v4 =	vor.u32 v31, v4;
	v5 =	vor.u32 v31, v5;
	v6 =	vor.u32 v31, v6  }
0x1b: {  	s12 =	sshll.u32 s12, $0x7;
	s13 =	sshll.u32 s13, $0x7;
	s17 =	sshll.u32 s17, $0x7;
	v7 =	vor.u32 v31, v7;
	v8 =	vor.u32 v31, v8;
	v9 =	vor.u32 v31, v9  }
0x1c: {  	s15 =	sshll.u32 s15, $0x7;
	s25 =	sshll.u32 s20, $0x7;
	s18 =	sshll.u32 s18, $0x7;
	v10 =	vshll.u32 v10, $0xA;
	v11 =	vor.u32 v31, v11;
	v12 =	vshll.u32 v12, $0xA  }
0x1d: {  	s19 =	sshll.u32 s29, $0x7;
	s22 =	sor.u32 $0x1E0, s1;
	s1 =	sor.u32 $0x1F0, s1;
	v13 =	vor.u32 v31, v13;
	v14 =	vor.u32 v31, v14;
	v15 =	vor.u32 v31, v15  }
0x1e: {  	s5 =	sadd.s32 s2, s5;
	s6 =	sadd.s32 s2, s6;
	s7 =	sadd.s32 s2, s7;
	v16 =	vor.u32 v31, v16;
	v17 =	vor.u32 v31, v17;
	v18 =	vor.u32 v31, v18  }
0x1f: {  	s8 =	sadd.s32 s2, s8;
	s10 =	sshll.u32 s10, $0x7;
	s11 =	sshll.u32 s11, $0x7;
	v19 =	vor.u32 v31, v19;
	v20 =	vor.u32 v31, v20;
	v21 =	vor.u32 v31, v21  }
0x20: {  	s9 =	sadd.s32 s2, s9;
	s12 =	sadd.s32 s2, s12;
	s13 =	sadd.s32 s2, s13;
	v22 =	vor.u32 v31, v22;
	v23 =	vshll.u32 v23, $0xA;
	v24 =	vshll.u32 v24, $0xA  }
0x21: {  	s14 =	sadd.s32 s2, s17;
	s26 =	sshll.u32 s23, $0x7;
	s15 =	sadd.s32 s2, s15;
	v25 =	vor.u32 v31, v25;
	v27 =	vshll.u32 v27, $0xA;
	v26 =	vor.u32 v31, v26  }
0x22: {  	s16 =	sadd.s32 s2, s25;
	s18 =	sadd.s32 s2, s18;
	s19 =	sadd.s32 s2, s19;
	v28 =	vor.u32 v31, v28;
	v30 =	vmov s22;
	v29 =	vshll.u32 v29, $0xA  }
0x23: {  	s21 =	smax.u32 s0, $0x1;
	s23 =	simm.s32 $0x200;
	s24 =	simm.s32 $0x1;
	v32 =	vmov s1;
	v10 =	vor.u32 v31, v10;
	v12 =	vor.u32 v31, v12  }
0x24: {  	s25 =	simm.s32 $0x80;
	s0 =	simm.s32 $0x0;
	s10 =	sadd.s32 s2, s10;
	v23 =	vor.u32 v31, v23;
	v24 =	vor.u32 v31, v24;
	v27 =	vor.u32 v31, v27  }
0x25: {  	s11 =	sadd.s32 s2, s11;
	s17 =	sadd.s32 s2, s26;
	s29 =	sshll.u32 s22, $0x7;
	v30 =	vshll.u32 v30, $0xA;
	v29 =	vor.u32 v31, v29;
	v32 =	vshll.u32 v32, $0xA  }
0x26: {  	s22 =	simm.s32 $0x3;
	s1 =	simm.s32 $0x2;
	s20 =	sadd.s32 s2, s29;
	v30 =	vor.u32 v31, v30;
	v31 =	vor.u32 v31, v32;
	v32 =	vimm.f32 $0.0e+00  }
.LBB2_1:
0x27: {  	[tilespmem:s3], [sflag:$0x3] =	stream.linear.gather [hbm4b:s4+s3], $0x200, $0x38;
	[tilespmem:$0x8480] =	vst v63  }
0x28: {  	_ =	swait.ge [sflag:s22], $0x200  }
0x29: {  	[sflag:s22] =	ssyncset.done $0x0  }
0x2a: {  	s26 =	simm.s32 $0x40;
	s29 =	simm.s32 $0x0;
	[sflag:s22] =	ssyncadd.s32 $0xFFFFFE00  }
.LBB2_2:
0x2b: {  	p0 =	sne.s32 s26, $0x1FFC0;
	[tilespmem:s29+$0x200] =	vst v32;
	s29 =	smov.u32 s26;
	s26 =	sadd.s32 $0x40, s26  }
.Ltmp0:
0x2c: {  	(pc) =	sbr.rel @p0 .LBB2_2-.Ltmp0, $2  }
0x2d: {  	_ =	sdelay $0x2  }
0x2e: {  	s29 =	sshra.s32 s29, $0x2  }
0x2f: {  	[tilespmem:s29+$0x200] =	vst v32  }
0x30: {  	[tilespmem:$0x8200] =	vst v33  }
0x31: {  	[tilespmem:$0x8210] =	vst v33  }
0x32: {  	v34 =	vld [tilespmem:$0x0];
	[tilespmem:$0x8220] =	vst v33  }
0x33: {  	v35 =	vld [tilespmem:$0x10];
	[tilespmem:$0x8230] =	vst v33  }
0x34: {  	v36 =	vld [tilespmem:$0x20];
	[tilespmem:$0x8240] =	vst v33  }
0x35: {  	v37 =	vld [tilespmem:$0x30];
	[tilespmem:$0x8250] =	vst v33  }
0x36: {  	v38 =	vld [tilespmem:$0x40];
	[tilespmem:$0x8260] =	vst v33  }
0x37: {  	v39 =	vld [tilespmem:$0x50];
	[tilespmem:$0x8270] =	vst v33;
	v34 =	vadd.s32 v0, v34  }
0x38: {  	v53 =	vld [tilespmem:$0x60];
	v52 =	vadd.s32 v1, v35;
	[tilespmem:$0x8280] =	vst v34  }
0x39: {  	v55 =	vld [tilespmem:$0x70];
	v54 =	vadd.s32 v2, v36;
	[tilespmem:$0x8290] =	vst v52  }
0x3a: {  	v57 =	vld [tilespmem:$0x80];
	v56 =	vadd.s32 v3, v37;
	[tilespmem:$0x82A0] =	vst v54  }
0x3b: {  	v59 =	vld [tilespmem:$0x90];
	v58 =	vadd.s32 v4, v38;
	[tilespmem:$0x82B0] =	vst v56  }
0x3c: {  	v61 =	vld [tilespmem:$0xA0];
	v60 =	vadd.s32 v5, v39;
	[tilespmem:$0x82C0] =	vst v58  }
0x3d: {  	v63 =	vld [tilespmem:$0xB0];
	v62 =	vadd.s32 v6, v53;
	[tilespmem:$0x82D0] =	vst v60  }
0x3e: {  	v43 =	vld [tilespmem:$0xC0];
	v42 =	vadd.s32 v7, v55;
	[tilespmem:$0x82E0] =	vst v62  }
0x3f: {  	v45 =	vld [tilespmem:$0xD0];
	v44 =	vadd.s32 v8, v57;
	[tilespmem:$0x82F0] =	vst v42  }
0x40: {  	v47 =	vld [tilespmem:$0xE0];
	v46 =	vadd.s32 v9, v59;
	[tilespmem:$0x8300] =	vst v44  }
0x41: {  	v49 =	vld [tilespmem:$0xF0];
	v48 =	vadd.s32 v10, v61;
	[tilespmem:$0x8310] =	vst v46  }
0x42: {  	v51 =	vld [tilespmem:$0x100];
	v50 =	vadd.s32 v11, v63;
	[tilespmem:$0x8320] =	vst v48  }
0x43: {  	v53 =	vld [tilespmem:$0x110];
	[tilespmem:$0x8330] =	vst v50;
	v52 =	vadd.s32 v12, v43  }
0x44: {  	v55 =	vld [tilespmem:$0x120];
	v54 =	vadd.s32 v13, v45;
	[tilespmem:$0x8340] =	vst v52  }
0x45: {  	v57 =	vld [tilespmem:$0x130];
	v56 =	vadd.s32 v14, v47;
	[tilespmem:$0x8350] =	vst v54  }
0x46: {  	v59 =	vld [tilespmem:$0x140];
	v58 =	vadd.s32 v15, v49;
	[tilespmem:$0x8360] =	vst v56  }
0x47: {  	v61 =	vld [tilespmem:$0x150];
	v60 =	vadd.s32 v16, v51;
	[tilespmem:$0x8370] =	vst v58  }
0x48: {  	v63 =	vld [tilespmem:$0x160];
	[tilespmem:$0x8380] =	vst v60;
	v62 =	vadd.s32 v17, v53  }
0x49: {  	v43 =	vld [tilespmem:$0x170];
	v42 =	vadd.s32 v18, v55;
	[tilespmem:$0x8390] =	vst v62  }
0x4a: {  	v45 =	vld [tilespmem:$0x180];
	v44 =	vadd.s32 v19, v57;
	[tilespmem:$0x83A0] =	vst v42  }
0x4b: {  	v47 =	vld [tilespmem:$0x190];
	v46 =	vadd.s32 v20, v59;
	[tilespmem:$0x83B0] =	vst v44  }
0x4c: {  	v49 =	vld [tilespmem:$0x1A0];
	v48 =	vadd.s32 v21, v61;
	[tilespmem:$0x83C0] =	vst v46  }
0x4d: {  	v51 =	vld [tilespmem:$0x1B0];
	v50 =	vadd.s32 v22, v63;
	[tilespmem:$0x83D0] =	vst v48  }
0x4e: {  	v60 =	vld [tilespmem:$0x1E0];
	[tilespmem:$0x83E0] =	vst v50;
	v52 =	vadd.s32 v23, v43  }
0x4f: {  	v53 =	vld [tilespmem:$0x1C0];
	v54 =	vadd.s32 v24, v45;
	[tilespmem:$0x83F0] =	vst v52  }
0x50: {  	v55 =	vld [tilespmem:$0x1D0];
	v56 =	vadd.s32 v25, v47;
	[tilespmem:$0x8400] =	vst v54  }
0x51: {  	v63 =	vld [tilespmem:$0x1F0];
	v57 =	vadd.s32 v26, v49;
	[tilespmem:$0x8410] =	vst v56  }
0x52: {  	v58 =	vadd.s32 v27, v51;
	[tilespmem:$0x8420] =	vst v57  }
0x53: {  	[tilespmem:$0x8430] =	vst v58;
	v62 =	vadd.s32 v30, v60  }
0x54: {  	[tilespmem:$0x8460] =	vst v62;
	v59 =	vadd.s32 v28, v53  }
0x55: {  	v61 =	vadd.s32 v29, v55;
	[tilespmem:$0x8440] =	vst v59  }
0x56: {  	v34 =	vadd.s32 v31, v63;
	[tilespmem:$0x8450] =	vst v61  }
0x57: {  	[tilespmem:$0x8470] =	vst v34  }
0x58: {  	[hbm4b:s5+s3] =	stream.linear.scatter [tilespmem:s23], [sflag:$0x1], $0x8000, $0x38;
	[tilespmem:$0x8480] =	vst v63  }
0x59: {  	_ = 	snop  }
0x5a: {  	[hbm4b:s6+s3] =	stream.linear.scatter [tilespmem:s23], [sflag:$0x1], $0x8000, $0x38;
	[tilespmem:$0x8480] =	vst v63  }
0x5b: {  	_ = 	snop  }
0x5c: {  	[hbm4b:s7+s3] =	stream.linear.scatter [tilespmem:s23], [sflag:$0x1], $0x8000, $0x38;
	[tilespmem:$0x8480] =	vst v63  }
0x5d: {  	_ = 	snop  }
0x5e: {  	[hbm4b:s8+s3] =	stream.linear.scatter [tilespmem:s23], [sflag:$0x1], $0x8000, $0x38;
	[tilespmem:$0x8480] =	vst v63  }
0x5f: {  	_ = 	snop  }
0x60: {  	[hbm4b:s9+s3] =	stream.linear.scatter [tilespmem:s23], [sflag:$0x1], $0x8000, $0x38;
	[tilespmem:$0x8480] =	vst v63  }
0x61: {  	_ = 	snop  }
0x62: {  	[hbm4b:s10+s3] =	stream.linear.scatter [tilespmem:s23], [sflag:$0x1], $0x8000, $0x38;
	[tilespmem:$0x8480] =	vst v63  }
0x63: {  	_ = 	snop  }
0x64: {  	[hbm4b:s11+s3] =	stream.linear.scatter [tilespmem:s23], [sflag:$0x1], $0x8000, $0x38;
	[tilespmem:$0x8480] =	vst v63  }
0x65: {  	_ = 	snop  }
0x66: {  	[hbm4b:s12+s3] =	stream.linear.scatter [tilespmem:s23], [sflag:$0x1], $0x8000, $0x38;
	[tilespmem:$0x8480] =	vst v63  }
0x67: {  	_ = 	snop  }
0x68: {  	[hbm4b:s13+s3] =	stream.linear.scatter [tilespmem:s23], [sflag:$0x1], $0x8000, $0x38;
	[tilespmem:$0x8480] =	vst v63  }
0x69: {  	_ = 	snop  }
0x6a: {  	[hbm4b:s14+s3] =	stream.linear.scatter [tilespmem:s23], [sflag:$0x1], $0x8000, $0x38;
	[tilespmem:$0x8480] =	vst v63  }
0x6b: {  	_ = 	snop  }
0x6c: {  	[hbm4b:s15+s3] =	stream.linear.scatter [tilespmem:s23], [sflag:$0x1], $0x8000, $0x38;
	[tilespmem:$0x8480] =	vst v63  }
0x6d: {  	_ = 	snop  }
0x6e: {  	[hbm4b:s16+s3] =	stream.linear.scatter [tilespmem:s23], [sflag:$0x1], $0x8000, $0x38;
	[tilespmem:$0x8480] =	vst v63  }
0x6f: {  	_ = 	snop  }
0x70: {  	[hbm4b:s17+s3] =	stream.linear.scatter [tilespmem:s23], [sflag:$0x1], $0x8000, $0x38;
	[tilespmem:$0x8480] =	vst v63  }
0x71: {  	_ = 	snop  }
0x72: {  	[hbm4b:s18+s3] =	stream.linear.scatter [tilespmem:s23], [sflag:$0x1], $0x8000, $0x38;
	[tilespmem:$0x8480] =	vst v63  }
0x73: {  	_ = 	snop  }
0x74: {  	[hbm4b:s19+s3] =	stream.linear.scatter [tilespmem:s23], [sflag:$0x1], $0x8000, $0x38;
	[tilespmem:$0x8480] =	vst v63  }
0x75: {  	_ = 	snop  }
0x76: {  	[hbm4b:s20+s3] =	stream.linear.scatter [tilespmem:s23], [sflag:$0x1], $0x8000, $0x38;
	[tilespmem:$0x8480] =	vst v63  }
0x77: {  	_ =	swait.ge [sflag:s24], $0x8000  }
0x78: {  	[sflag:s24] =	ssyncset.done $0x0  }
0x79: {  	[sflag:s24] =	ssyncadd.s32 $0xFFFF8000  }
0x7a: {  	_ =	swait.ge [sflag:s24], $0x8000  }
0x7b: {  	[sflag:s24] =	ssyncset.done $0x0  }
0x7c: {  	[sflag:s24] =	ssyncadd.s32 $0xFFFF8000  }
0x7d: {  	_ =	swait.ge [sflag:s24], $0x8000  }
0x7e: {  	[sflag:s24] =	ssyncset.done $0x0  }
0x7f: {  	[sflag:s24] =	ssyncadd.s32 $0xFFFF8000  }
0x80: {  	_ =	swait.ge [sflag:s24], $0x8000  }
0x81: {  	[sflag:s24] =	ssyncset.done $0x0  }
0x82: {  	[sflag:s24] =	ssyncadd.s32 $0xFFFF8000  }
0x83: {  	_ =	swait.ge [sflag:s24], $0x8000  }
0x84: {  	[sflag:s24] =	ssyncset.done $0x0  }
0x85: {  	[sflag:s24] =	ssyncadd.s32 $0xFFFF8000  }
0x86: {  	_ =	swait.ge [sflag:s24], $0x8000  }
0x87: {  	[sflag:s24] =	ssyncset.done $0x0  }
0x88: {  	[sflag:s24] =	ssyncadd.s32 $0xFFFF8000  }
0x89: {  	_ =	swait.ge [sflag:s24], $0x8000  }
0x8a: {  	[sflag:s24] =	ssyncset.done $0x0  }
0x8b: {  	[sflag:s24] =	ssyncadd.s32 $0xFFFF8000  }
0x8c: {  	_ =	swait.ge [sflag:s24], $0x8000  }
0x8d: {  	[sflag:s24] =	ssyncset.done $0x0  }
0x8e: {  	[sflag:s24] =	ssyncadd.s32 $0xFFFF8000  }
0x8f: {  	_ =	swait.ge [sflag:s24], $0x8000  }
0x90: {  	[sflag:s24] =	ssyncset.done $0x0  }
0x91: {  	[sflag:s24] =	ssyncadd.s32 $0xFFFF8000  }
0x92: {  	_ =	swait.ge [sflag:s24], $0x8000  }
0x93: {  	[sflag:s24] =	ssyncset.done $0x0  }
0x94: {  	[sflag:s24] =	ssyncadd.s32 $0xFFFF8000  }
0x95: {  	_ =	swait.ge [sflag:s24], $0x8000  }
0x96: {  	[sflag:s24] =	ssyncset.done $0x0  }
0x97: {  	[sflag:s24] =	ssyncadd.s32 $0xFFFF8000  }
0x98: {  	_ =	swait.ge [sflag:s24], $0x8000  }
0x99: {  	[sflag:s24] =	ssyncset.done $0x0  }
0x9a: {  	[sflag:s24] =	ssyncadd.s32 $0xFFFF8000  }
0x9b: {  	_ =	swait.ge [sflag:s24], $0x8000  }
0x9c: {  	[sflag:s24] =	ssyncset.done $0x0  }
0x9d: {  	[sflag:s24] =	ssyncadd.s32 $0xFFFF8000  }
0x9e: {  	_ =	swait.ge [sflag:s24], $0x8000  }
0x9f: {  	[sflag:s24] =	ssyncset.done $0x0  }
0xa0: {  	[sflag:s24] =	ssyncadd.s32 $0xFFFF8000  }
0xa1: {  	_ =	swait.ge [sflag:s24], $0x8000  }
0xa2: {  	[sflag:s24] =	ssyncset.done $0x0  }
0xa3: {  	[sflag:s24] =	ssyncadd.s32 $0xFFFF8000  }
0xa4: {  	_ =	swait.ge [sflag:s24], $0x8000  }
0xa5: {  	[sflag:s24] =	ssyncset.done $0x0  }
0xa6: {  	s26 =	simm.s32 $0x8280;
	[sflag:s24] =	ssyncadd.s32 $0xFFFF8000  }
0xa7: {  	[hbm4b:s2+s25] =	stream.indirect.scatter [tilespmem:s28], [sflag:$0x2], $0x1, s26, s25, $0xb8;
	[tilespmem:$0x8480] =	vst v63  }
0xa8: {  	s29 =	simm.s32 $0x8300  }
0xa9: {  	[hbm4b:s2+s25] =	stream.indirect.scatter [tilespmem:s28], [sflag:$0x2], $0x1, s29, s25, $0xb8;
	[tilespmem:$0x8480] =	vst v63  }
0xaa: {  	_ = 	snop  }
0xab: {  	[hbm4b:s2+s25] =	stream.indirect.scatter [tilespmem:s28], [sflag:$0x2], $0x1, s30, s25, $0xb8;
	[tilespmem:$0x8480] =	vst v63  }
0xac: {  	_ = 	snop  }
0xad: {  	[hbm4b:s2+s25] =	stream.indirect.scatter [tilespmem:s28], [sflag:$0x2], $0x1, s31, s25, $0xb8;
	[tilespmem:$0x8480] =	vst v63  }
0xae: {  	_ =	swait.ge [sflag:s1], $0x80  }
0xaf: {  	[sflag:s1] =	ssyncset.done $0x0  }
0xb0: {  	[sflag:s1] =	ssyncadd.s32 $0xFFFFFF80  }
0xb1: {  	_ =	swait.ge [sflag:s1], $0x80  }
0xb2: {  	[sflag:s1] =	ssyncset.done $0x0  }
0xb3: {  	s0 =	sadd.s32 $0x1, s0;
	[sflag:s1] =	ssyncadd.s32 $0xFFFFFF80  }
0xb4: {  	p0 =	sne.s32 s0, s21;
	_ =	swait.ge [sflag:s1], $0x80  }
.Ltmp1:
0xb5: {  	[sflag:s1] =	ssyncset.done $0x0;
	(pc) =	sbr.rel @p0 .LBB2_1-.Ltmp1, $4  }
0xb6: {  	[sflag:s1] =	ssyncadd.s32 $0xFFFFFF80  }
0xb7: {  	_ =	swait.ge [sflag:s1], $0x80  }
0xb8: {  	[sflag:s1] =	ssyncset.done $0x0  }
0xb9: {  	[sflag:s1] =	ssyncadd.s32 $0xFFFFFF80  }
0xba: {  	_ =	sfence.sel $0x180000  }
0xbb: {  	[bflag:$0x0] =	sbarrier.arrive $0xFFFF  }
0xbc: {  	_ =	strace $0x90000047  }
0xbd: {  	s0 =	stileid.u32;
	[bflag:$0x2] =	sbarrier.arrive $0xFFFF  }
0xbe: {  	p0 =	sne.s32 s0, $0x0;
	s0 =	rddreg [dreg:$0x2]  }
0xbf: {  	s0 =	sadd.s32 @!p0 $0x100000, s0  }
0xc0: {  	[sflag:s0] =	ssyncadd.tile.s32 @!p0 $0x1;
	_ =	shalt  }
.Lfunc_end2:
_tile_overlayer_lowered:
.L_overlay_start_2:
0xc1: {  	(tag) =	ssettag $0x2  }
0xc2: {  	s0 =	rddreg [dreg:$0x0];
	s2 =	stileid.u32  }
0xc3: {  	s1 =	rddreg [dreg:$0x1];
	p0 =	sne.s32 s2, $0x0  }
0xc4: {  	s3 =	rddreg [dreg:$0x2];
	[bflag:$0x3] =	sbarrier.arrive $0xFFFF;
	s2 =	simm.s32 @!p0 $0x1C03  }
0xc5: {  	[timem:s3], [sflag:s2] =	dma.local @!p0 [hbm:s0], s1  }
0xc6: {  	s0 =	simm.s32 @!p0 $0x3  }
0xc7: {  	_ =	swait.ge @!p0 [sflag:s0], s1  }
0xc8: {  	s1 =	ssub.s32 @!p0 $0x0, s1;
	[sflag:s0] =	ssyncset.done @!p0 $0x0  }
0xc9: {  	[sflag:s0] =	ssyncadd.s32 @!p0 s1  }
0xca: {  	[bflag:$0x3] =	sbarrier.arrive $0xFFFF  }
0xcb: {  	_ =	shalt  }

</sc_bundles>
